<compile_context>
chip_gen: v7x
topology: tpu7x:2x2x1
jax: 0.10.2.dev20260603
libtpu: 0.0.44.dev20260713+nightly
codegen_flags: <defaults>
</compile_context>

<pallas_src>
import functools
import math

import jax
import jax.numpy as jnp
from jax.experimental import pallas as pl
from jax.experimental.pallas import tpu as pltpu
from jax.experimental.pallas import tpu_sc as plsc

_ROUTER_BLK = 1024
_SC_WIN = 128


def _router_body(cap, n_exp, x_ref, wr_ref, br_ref, slot_ref, cnt_ref):
    blk = x_ref.shape[0]
    i = pl.program_id(0)

    @pl.when(i == 0)
    def _():
        cnt_ref[...] = jnp.zeros_like(cnt_ref)

    logits = jax.lax.dot_general(
        x_ref[...], wr_ref[...], (((1,), (0,)), ((), ())),
        preferred_element_type=jnp.float32) + br_ref[...]
    m = jnp.max(logits, axis=1, keepdims=True)
    lanes = jax.lax.broadcasted_iota(jnp.int32, (blk, n_exp), 1)
    e = jnp.min(jnp.where(logits == m, lanes, n_exp), axis=1, keepdims=True)
    onehot = (lanes == e).astype(jnp.float32)
    r = jax.lax.broadcasted_iota(jnp.int32, (blk, blk), 0)
    c = jax.lax.broadcasted_iota(jnp.int32, (blk, blk), 1)
    tri = (r >= c).astype(jnp.float32)
    incl = jax.lax.dot_general(
        tri, onehot, (((1,), (0,)), ((), ())),
        preferred_element_type=jnp.float32)
    grank = (jnp.sum((incl + cnt_ref[...]) * onehot, axis=1, keepdims=True)
             - 1.0).astype(jnp.int32)
    cnt_ref[...] = cnt_ref[...] + incl[blk - 1:blk, :]
    slot = jnp.where(grank < cap, (e + 1) * cap + grank, 0)
    slot_ref[...] = jax.lax.transpose(slot, (1, 0)).reshape(1, 1, blk)


def _router(x2d, wrt, br2, cap):
    t_tok, d = x2d.shape
    n_exp = wrt.shape[1]
    blk = _ROUTER_BLK
    return pl.pallas_call(
        functools.partial(_router_body, cap, n_exp),
        grid=(t_tok // blk,),
        in_specs=[
            pl.BlockSpec((blk, d), lambda i: (i, 0)),
            pl.BlockSpec((d, n_exp), lambda i: (0, 0)),
            pl.BlockSpec((1, n_exp), lambda i: (0, 0)),
        ],
        out_specs=pl.BlockSpec((1, 1, blk), lambda i: (i, 0, 0)),
        out_shape=jax.ShapeDtypeStruct((t_tok // blk, 1, blk), jnp.int32),
        scratch_shapes=[pltpu.VMEM((1, n_exp), jnp.float32)],
    )(x2d, wrt, br2)


def _ffn_body(buf_ref, w1_ref, b1_ref, w2_ref, b2_ref, y_ref):
    i = pl.program_id(0)

    @pl.when(i == 0)
    def _():
        y_ref[...] = jnp.zeros_like(y_ref)

    @pl.when(i > 0)
    def _():
        h = jax.lax.dot_general(
            buf_ref[...], w1_ref[0], (((1,), (0,)), ((), ())),
            preferred_element_type=jnp.float32) + b1_ref[0]
        h = 0.5 * h * (1.0 + jax.lax.erf(h * (1.0 / math.sqrt(2.0))))
        y_ref[...] = jax.lax.dot_general(
            h, w2_ref[0], (((1,), (0,)), ((), ())),
            preferred_element_type=jnp.float32) + b2_ref[0]


def _ffn(buf, w1, b1, w2, b2, cap):
    n_exp, d, f = w1.shape
    rows = buf.shape[0]
    prev_e = lambda i: jnp.maximum(i - 1, 0)
    return pl.pallas_call(
        _ffn_body,
        grid=(n_exp + 1,),
        in_specs=[
            pl.BlockSpec((cap, d), lambda i: (i, 0)),
            pl.BlockSpec((1, d, f), lambda i: (prev_e(i), 0, 0)),
            pl.BlockSpec((1, 1, f), lambda i: (prev_e(i), 0, 0)),
            pl.BlockSpec((1, f, d), lambda i: (prev_e(i), 0, 0)),
            pl.BlockSpec((1, 1, d), lambda i: (prev_e(i), 0, 0)),
        ],
        out_specs=pl.BlockSpec((cap, d), lambda i: (i, 0)),
        out_shape=jax.ShapeDtypeStruct((rows, d), jnp.float32),
    )(buf, w1, b1.reshape(n_exp, 1, f), w2, b2.reshape(n_exp, 1, d))


def _dispatch(x2d, slot3, rows):
    t_tok, d = x2d.shape
    win = _SC_WIN
    n_win = t_tok // win
    mesh = plsc.VectorSubcoreMesh(core_axis_name="c", subcore_axis_name="s")
    n_workers = 32
    per_w = n_win // n_workers

    @functools.partial(
        pl.kernel,
        out_type=jax.ShapeDtypeStruct((rows, d), jnp.float32),
        mesh=mesh,
        scratch_types=[pltpu.VMEM((win, d), jnp.float32),
                       pltpu.VMEM((per_w, win), jnp.int32),
                       pltpu.SemaphoreType.DMA,
                       pltpu.SemaphoreType.DMA])
    def run(x_hbm, i_hbm, buf_hbm, xbuf, ibuf, isem, xsem):
        wid = jax.lax.axis_index("s") * 2 + jax.lax.axis_index("c")
        base = wid * per_w
        icp = pltpu.make_async_copy(
            i_hbm.at[pl.ds(base, per_w)], ibuf, isem)
        icp.start()
        pltpu.make_async_copy(
            x_hbm.at[pl.ds(base * win, win)], xbuf, xsem).start()
        icp.wait()
        for j in range(per_w):
            pltpu.make_async_copy(
                x_hbm.at[pl.ds((base + j) * win, win)], xbuf, xsem).wait()
            pltpu.sync_copy(xbuf, buf_hbm.at[ibuf.at[j]])
            if j + 1 < per_w:
                pltpu.make_async_copy(
                    x_hbm.at[pl.ds((base + j + 1) * win, win)], xbuf,
                    xsem).start()

    return run(x2d, slot3)


def _combine(y, slot3):
    d = y.shape[1]
    win = _SC_WIN
    n_win = slot3.shape[0]
    t_tok = n_win * win
    mesh = plsc.VectorSubcoreMesh(core_axis_name="c", subcore_axis_name="s")
    n_workers = 32
    per_w = n_win // n_workers

    @functools.partial(
        pl.kernel,
        out_type=jax.ShapeDtypeStruct((t_tok, d), jnp.float32),
        mesh=mesh,
        scratch_types=[pltpu.VMEM((win, d), jnp.float32),
                       pltpu.VMEM((per_w, win), jnp.int32),
                       pltpu.SemaphoreType.DMA])
    def run(y_hbm, i_hbm, o_hbm, ybuf, ibuf, isem):
        wid = jax.lax.axis_index("s") * 2 + jax.lax.axis_index("c")
        base = wid * per_w
        icp = pltpu.make_async_copy(
            i_hbm.at[pl.ds(base, per_w)], ibuf, isem)
        icp.start()
        icp.wait()
        for j in range(per_w):
            pltpu.sync_copy(y_hbm.at[ibuf.at[j]], ybuf)
            pltpu.sync_copy(ybuf, o_hbm.at[pl.ds((base + j) * win, win)])

    return run(y, slot3)


def kernel(x, W_router, b_router, W1, b1, W2, b2):
    bsz, seq, d = x.shape
    t_tok = bsz * seq
    n_exp = W_router.shape[0]
    cap = max(1, int(math.ceil(1.25 * t_tok / n_exp)))
    rows = (n_exp + 1) * cap

    x2d = x.reshape(t_tok, d)
    wrt = W_router.T
    br2 = b_router.reshape(1, n_exp)

    slot_raw = _router(x2d, wrt, br2, cap)
    slot3 = slot_raw.reshape(t_tok // _SC_WIN, _SC_WIN)
    buf = _dispatch(x2d, slot3, rows)
    y = _ffn(buf, W1, b1, W2, b2, cap)
    out2d = _combine(y, slot3)
    return out2d.reshape(bsz, seq, d)
    return out2d.reshape(bsz, seq, d)

# --- scband reference (transcript-rebuilt; emitter-appended) ---
"""Pipeline reference for scband-mo-efeed-forward-49546742727147 (READ-ONLY COPY).

The authoritative reference and input builder live on the scoring server;
editing this copy changes nothing except your own understanding.
"""

import jax, jax.numpy as jnp
import numpy as np
import math

E = 64
TOP_K = 1
D_MODEL = 768
D_FF = 768
CAP_FACTOR = 1.25
B = 4
S = 2048


def setup_inputs(seed: int = 0) -> dict:
    key = jax.random.key(seed)
    ks = jax.random.split(key, 6)
    x = jax.random.normal(ks[0], (B, S, D_MODEL), dtype=jnp.float32)
    W_router = jax.random.normal(ks[1], (E, D_MODEL), dtype=jnp.float32) * (1.0 / math.sqrt(D_MODEL))
    b_router = jnp.zeros((E,), jnp.float32)
    W1 = jax.random.normal(ks[2], (E, D_MODEL, D_FF), dtype=jnp.float32) * (1.0 / math.sqrt(D_MODEL))
    b1 = jnp.zeros((E, D_FF), jnp.float32)
    W2 = jax.random.normal(ks[3], (E, D_FF, D_MODEL), dtype=jnp.float32) * (1.0 / math.sqrt(D_FF))
    b2 = jnp.zeros((E, D_MODEL), jnp.float32)
    return {"x": x, "W_router": W_router, "b_router": b_router, "W1": W1, "b1": b1, "W2": W2, "b2": b2}


def reference(x, W_router, b_router, W1, b1, W2, b2):
    bsz, seq_len, dim = x.shape
    x_flat = x.reshape(-1, dim)
    T = x_flat.shape[0]
    router_logits = x_flat @ W_router.T + b_router
    router_probs = jax.nn.softmax(router_logits, axis=-1)
    topk_probs, topk_idx = jax.lax.top_k(router_probs, TOP_K)
    topk_probs = topk_probs / jnp.clip(jnp.sum(topk_probs, axis=-1, keepdims=True), 1e-9, None)
    A = T * TOP_K
    capacity = max(1, int(math.ceil(CAP_FACTOR * A / E)))
    assign_tokens = jnp.repeat(jnp.arange(T), TOP_K)
    assign_experts = topk_idx.reshape(-1)
    assign_weights = topk_probs.reshape(-1)
    order = jnp.argsort(assign_experts)
    se = assign_experts[order]
    st = assign_tokens[order]
    sw = assign_weights[order]
    counts = jnp.bincount(se, length=E)
    starts = jnp.cumsum(counts) - counts
    rank = jnp.arange(A) - starts[se]
    keep = rank < capacity
    slot = jnp.where(keep, rank, capacity)
    # dispatch tokens into per-expert capacity buffers (dropped -> overflow slot)
    buf = jnp.zeros((E, capacity + 1, dim), x.dtype).at[se, slot].set(x_flat[st])
    h = jax.nn.gelu(jnp.einsum('ecd,edf->ecf', buf, W1) + b1[:, None, :], approximate=False)
    y = jnp.einsum('ecf,efd->ecd', h, W2) + b2[:, None, :]
    per_assign = y[se, slot]
    w = jnp.where(keep, sw, jnp.zeros_like(sw))
    out_flat = jnp.zeros_like(x_flat).at[st].add(per_assign * w[:, None])
    return out_flat.reshape(bsz, seq_len, dim)

if __name__ == "__main__":
    import jax
    _d = setup_inputs()
    print(jax.jit(kernel)(*tuple(_d.values())))

</pallas_src>

<mosaic_0001>
#map = affine_map<(d0, d1) -> (0, 0)>
module attributes {stable_mosaic.version = 14 : i64} {
  func.func @run(%arg0: i32, %arg1: i32, %arg2: memref<10400x768xf32, #tpu.memory_space<hbm>>, %arg3: memref<64x128xi32, #tpu.memory_space<hbm>>, %arg4: memref<8192x768xf32, #tpu.memory_space<hbm>>, %arg5: memref<128x768xf32, #tpu.memory_space<vmem>>, %arg6: memref<2x128xi32, #tpu.memory_space<vmem>>, %arg7: memref<!tpu.dma_semaphore, #tpu.memory_space<semaphore_mem>>) attributes {dimension_semantics = [#tpu.dimension_semantics<core_parallel>, #tpu.dimension_semantics<subcore_parallel>], iteration_bounds = array<i64: 2, 16>, scalar_prefetch = 0 : i64, scratch_operands = 3 : i64, tpu.core_type = #tpu.core_type<sc_vector_subcore>, window_params = [{transform_indices = #map}, {transform_indices = #map}, {transform_indices = #map}]} {
    %mul3A = arith.constant 2 : i32
    %mul3A_0 = arith.muli %arg1, %mul3A : i32
    %add3A = arith.addi %mul3A_0, %arg0 : i32
    %mul3A_1 = arith.constant 2 : i32
    %mul3A_2 = arith.muli %add3A, %mul3A_1 : i32
    %dma_start3A = arith.constant 0 : i32
    %dma_start3A_3 = tpu.memref_slice %arg3[%mul3A_2, %dma_start3A] : memref<64x128xi32, #tpu.memory_space<hbm>> -> memref<2x128xi32, #tpu.memory_space<hbm>>
    %dma_start3A_4 = arith.constant 0 : i32
    %dma_start3A_5 = tpu.memref_slice %arg3[%mul3A_2, %dma_start3A_4] : memref<64x128xi32, #tpu.memory_space<hbm>> -> memref<2x128xi32, #tpu.memory_space<hbm>>
    tpu.enqueue_dma source(%dma_start3A_5 : memref<2x128xi32, #tpu.memory_space<hbm>>) target(%arg6 : memref<2x128xi32, #tpu.memory_space<vmem>>) target_semaphore(%arg7 : memref<!tpu.dma_semaphore, #tpu.memory_space<semaphore_mem>>)
    %dma_wait3A = arith.constant 0 : i32
    %dma_wait3A_6 = tpu.memref_slice %arg3[%mul3A_2, %dma_wait3A] : memref<64x128xi32, #tpu.memory_space<hbm>> -> memref<2x128xi32, #tpu.memory_space<hbm>>
    %dma_wait3A_7 = arith.constant 0 : i32
    %dma_wait3A_8 = tpu.memref_slice %arg3[%mul3A_2, %dma_wait3A_7] : memref<64x128xi32, #tpu.memory_space<hbm>> -> memref<2x128xi32, #tpu.memory_space<hbm>>
    tpu.wait_dma2 semaphore(%arg7 : memref<!tpu.dma_semaphore, #tpu.memory_space<semaphore_mem>>) src(%dma_wait3A_8 : memref<2x128xi32, #tpu.memory_space<hbm>>) dst(%arg6 : memref<2x128xi32, #tpu.memory_space<vmem>>)
    %run_scoped3A = arith.constant 0 : i32
    "tpu.region"() ({
      %run_scoped3A_18 = tpu.sem_alloc : memref<!tpu.dma_semaphore, #tpu.memory_space<semaphore_mem>>
      %dma_start3A_19 = arith.constant 0 : i32
      %dma_start3A_20 = tpu.memref_slice %arg6[%run_scoped3A, %dma_start3A_19] : memref<2x128xi32, #tpu.memory_space<vmem>> -> memref<1x128xi32, #tpu.memory_space<vmem>>
      %dma_start3A_21 = tpu.memref_squeeze %dma_start3A_20 : memref<1x128xi32, #tpu.memory_space<vmem>> -> memref<128xi32, #tpu.memory_space<vmem>>
      %dma_start3A_22 = arith.constant 0 : i32
      %dma_start3A_23 = arith.constant 0 : i32
      %dma_start3A_24 = tpu.memref_slice %arg2[%dma_start3A_22, %dma_start3A_23] : memref<10400x768xf32, #tpu.memory_space<hbm>> -> memref<10400x768xf32, #tpu.memory_space<hbm>>
      tpu.enqueue_indirect_dma source(%dma_start3A_24 : memref<10400x768xf32, #tpu.memory_space<hbm>>) target(%arg5 : memref<128x768xf32, #tpu.memory_space<vmem>>) offsets(%dma_start3A_21 : memref<128xi32, #tpu.memory_space<vmem>>) semaphore(%run_scoped3A_18 : memref<!tpu.dma_semaphore, #tpu.memory_space<semaphore_mem>>)
      %dma_wait3A_25 = arith.constant 0 : i32
      %dma_wait3A_26 = tpu.memref_slice %arg6[%run_scoped3A, %dma_wait3A_25] : memref<2x128xi32, #tpu.memory_space<vmem>> -> memref<1x128xi32, #tpu.memory_space<vmem>>
      %dma_wait3A_27 = tpu.memref_squeeze %dma_wait3A_26 : memref<1x128xi32, #tpu.memory_space<vmem>> -> memref<128xi32, #tpu.memory_space<vmem>>
      %dma_wait3A_28 = arith.constant 0 : i32
      %dma_wait3A_29 = arith.constant 0 : i32
      %dma_wait3A_30 = tpu.memref_slice %arg2[%dma_wait3A_28, %dma_wait3A_29] : memref<10400x768xf32, #tpu.memory_space<hbm>> -> memref<10400x768xf32, #tpu.memory_space<hbm>>
      tpu.wait_indirect_dma semaphore(%run_scoped3A_18 : memref<!tpu.dma_semaphore, #tpu.memory_space<semaphore_mem>>) src(%dma_wait3A_30 : memref<10400x768xf32, #tpu.memory_space<hbm>>) dst(%arg5 : memref<128x768xf32, #tpu.memory_space<vmem>>)
      tpu.yield
    }) : () -> ()
    %add3A_9 = arith.constant 0 : i32
    %add3A_10 = arith.addi %mul3A_2, %add3A_9 : i32
    %mul3A_11 = arith.constant 128 : i32
    %mul3A_12 = arith.muli %add3A_10, %mul3A_11 : i32
    "tpu.region"() ({
      %run_scoped3A_18 = tpu.sem_alloc : memref<!tpu.dma_semaphore, #tpu.memory_space<semaphore_mem>>
      %dma_start3A_19 = arith.constant 0 : i32
      %dma_start3A_20 = tpu.memref_slice %arg4[%mul3A_12, %dma_start3A_19] : memref<8192x768xf32, #tpu.memory_space<hbm>> -> memref<128x768xf32, #tpu.memory_space<hbm>>
      %dma_start3A_21 = arith.constant 0 : i32
      %dma_start3A_22 = tpu.memref_slice %arg4[%mul3A_12, %dma_start3A_21] : memref<8192x768xf32, #tpu.memory_space<hbm>> -> memref<128x768xf32, #tpu.memory_space<hbm>>
      tpu.enqueue_dma source(%arg5 : memref<128x768xf32, #tpu.memory_space<vmem>>) target(%dma_start3A_22 : memref<128x768xf32, #tpu.memory_space<hbm>>) target_semaphore(%run_scoped3A_18 : memref<!tpu.dma_semaphore, #tpu.memory_space<semaphore_mem>>)
      %dma_wait3A_23 = arith.constant 0 : i32
      %dma_wait3A_24 = tpu.memref_slice %arg4[%mul3A_12, %dma_wait3A_23] : memref<8192x768xf32, #tpu.memory_space<hbm>> -> memref<128x768xf32, #tpu.memory_space<hbm>>
      %dma_wait3A_25 = arith.constant 0 : i32
      %dma_wait3A_26 = tpu.memref_slice %arg4[%mul3A_12, %dma_wait3A_25] : memref<8192x768xf32, #tpu.memory_space<hbm>> -> memref<128x768xf32, #tpu.memory_space<hbm>>
      tpu.wait_dma2 semaphore(%run_scoped3A_18 : memref<!tpu.dma_semaphore, #tpu.memory_space<semaphore_mem>>) src(%arg5 : memref<128x768xf32, #tpu.memory_space<vmem>>) dst(%dma_wait3A_26 : memref<128x768xf32, #tpu.memory_space<hbm>>)
      tpu.yield
    }) : () -> ()
    %run_scoped3A_13 = arith.constant 1 : i32
    "tpu.region"() ({
      %run_scoped3A_18 = tpu.sem_alloc : memref<!tpu.dma_semaphore, #tpu.memory_space<semaphore_mem>>
      %dma_start3A_19 = arith.constant 0 : i32
      %dma_start3A_20 = tpu.memref_slice %arg6[%run_scoped3A_13, %dma_start3A_19] : memref<2x128xi32, #tpu.memory_space<vmem>> -> memref<1x128xi32, #tpu.memory_space<vmem>>
      %dma_start3A_21 = tpu.memref_squeeze %dma_start3A_20 : memref<1x128xi32, #tpu.memory_space<vmem>> -> memref<128xi32, #tpu.memory_space<vmem>>
      %dma_start3A_22 = arith.constant 0 : i32
      %dma_start3A_23 = arith.constant 0 : i32
      %dma_start3A_24 = tpu.memref_slice %arg2[%dma_start3A_22, %dma_start3A_23] : memref<10400x768xf32, #tpu.memory_space<hbm>> -> memref<10400x768xf32, #tpu.memory_space<hbm>>
      tpu.enqueue_indirect_dma source(%dma_start3A_24 : memref<10400x768xf32, #tpu.memory_space<hbm>>) target(%arg5 : memref<128x768xf32, #tpu.memory_space<vmem>>) offsets(%dma_start3A_21 : memref<128xi32, #tpu.memory_space<vmem>>) semaphore(%run_scoped3A_18 : memref<!tpu.dma_semaphore, #tpu.memory_space<semaphore_mem>>)
      %dma_wait3A_25 = arith.constant 0 : i32
      %dma_wait3A_26 = tpu.memref_slice %arg6[%run_scoped3A_13, %dma_wait3A_25] : memref<2x128xi32, #tpu.memory_space<vmem>> -> memref<1x128xi32, #tpu.memory_space<vmem>>
      %dma_wait3A_27 = tpu.memref_squeeze %dma_wait3A_26 : memref<1x128xi32, #tpu.memory_space<vmem>> -> memref<128xi32, #tpu.memory_space<vmem>>
      %dma_wait3A_28 = arith.constant 0 : i32
      %dma_wait3A_29 = arith.constant 0 : i32
      %dma_wait3A_30 = tpu.memref_slice %arg2[%dma_wait3A_28, %dma_wait3A_29] : memref<10400x768xf32, #tpu.memory_space<hbm>> -> memref<10400x768xf32, #tpu.memory_space<hbm>>
      tpu.wait_indirect_dma semaphore(%run_scoped3A_18 : memref<!tpu.dma_semaphore, #tpu.memory_space<semaphore_mem>>) src(%dma_wait3A_30 : memref<10400x768xf32, #tpu.memory_space<hbm>>) dst(%arg5 : memref<128x768xf32, #tpu.memory_space<vmem>>)
      tpu.yield
    }) : () -> ()
    %add3A_14 = arith.constant 1 : i32
    %add3A_15 = arith.addi %mul3A_2, %add3A_14 : i32
    %mul3A_16 = arith.constant 128 : i32
    %mul3A_17 = arith.muli %add3A_15, %mul3A_16 : i32
    "tpu.region"() ({
      %run_scoped3A_18 = tpu.sem_alloc : memref<!tpu.dma_semaphore, #tpu.memory_space<semaphore_mem>>
      %dma_start3A_19 = arith.constant 0 : i32
      %dma_start3A_20 = tpu.memref_slice %arg4[%mul3A_17, %dma_start3A_19] : memref<8192x768xf32, #tpu.memory_space<hbm>> -> memref<128x768xf32, #tpu.memory_space<hbm>>
      %dma_start3A_21 = arith.constant 0 : i32
      %dma_start3A_22 = tpu.memref_slice %arg4[%mul3A_17, %dma_start3A_21] : memref<8192x768xf32, #tpu.memory_space<hbm>> -> memref<128x768xf32, #tpu.memory_space<hbm>>
      tpu.enqueue_dma source(%arg5 : memref<128x768xf32, #tpu.memory_space<vmem>>) target(%dma_start3A_22 : memref<128x768xf32, #tpu.memory_space<hbm>>) target_semaphore(%run_scoped3A_18 : memref<!tpu.dma_semaphore, #tpu.memory_space<semaphore_mem>>)
      %dma_wait3A_23 = arith.constant 0 : i32
      %dma_wait3A_24 = tpu.memref_slice %arg4[%mul3A_17, %dma_wait3A_23] : memref<8192x768xf32, #tpu.memory_space<hbm>> -> memref<128x768xf32, #tpu.memory_space<hbm>>
      %dma_wait3A_25 = arith.constant 0 : i32
      %dma_wait3A_26 = tpu.memref_slice %arg4[%mul3A_17, %dma_wait3A_25] : memref<8192x768xf32, #tpu.memory_space<hbm>> -> memref<128x768xf32, #tpu.memory_space<hbm>>
      tpu.wait_dma2 semaphore(%run_scoped3A_18 : memref<!tpu.dma_semaphore, #tpu.memory_space<semaphore_mem>>) src(%arg5 : memref<128x768xf32, #tpu.memory_space<vmem>>) dst(%dma_wait3A_26 : memref<128x768xf32, #tpu.memory_space<hbm>>)
      tpu.yield
    }) : () -> ()
    return
  }
}

#map = affine_map<(d0, d1) -> (0, 0)>
module attributes {stable_mosaic.version = 14 : i64} {
  func.func @run(%arg0: i32, %arg1: i32, %arg2: memref<8192x768xf32, #tpu.memory_space<hbm>>, %arg3: memref<64x128xi32, #tpu.memory_space<hbm>>, %arg4: memref<10400x768xf32, #tpu.memory_space<hbm>>, %arg5: memref<128x768xf32, #tpu.memory_space<vmem>>, %arg6: memref<2x128xi32, #tpu.memory_space<vmem>>, %arg7: memref<!tpu.dma_semaphore, #tpu.memory_space<semaphore_mem>>, %arg8: memref<!tpu.dma_semaphore, #tpu.memory_space<semaphore_mem>>) attributes {dimension_semantics = [#tpu.dimension_semantics<core_parallel>, #tpu.dimension_semantics<subcore_parallel>], iteration_bounds = array<i64: 2, 16>, scalar_prefetch = 0 : i64, scratch_operands = 4 : i64, tpu.core_type = #tpu.core_type<sc_vector_subcore>, window_params = [{transform_indices = #map}, {transform_indices = #map}, {transform_indices = #map}]} {
    %mul3A = arith.constant 2 : i32
    %mul3A_0 = arith.muli %arg1, %mul3A : i32
    %add3A = arith.addi %mul3A_0, %arg0 : i32
    %mul3A_1 = arith.constant 2 : i32
    %mul3A_2 = arith.muli %add3A, %mul3A_1 : i32
    %dma_start3A = arith.constant 0 : i32
    %dma_start3A_3 = tpu.memref_slice %arg3[%mul3A_2, %dma_start3A] : memref<64x128xi32, #tpu.memory_space<hbm>> -> memref<2x128xi32, #tpu.memory_space<hbm>>
    %dma_start3A_4 = arith.constant 0 : i32
    %dma_start3A_5 = tpu.memref_slice %arg3[%mul3A_2, %dma_start3A_4] : memref<64x128xi32, #tpu.memory_space<hbm>> -> memref<2x128xi32, #tpu.memory_space<hbm>>
    tpu.enqueue_dma source(%dma_start3A_5 : memref<2x128xi32, #tpu.memory_space<hbm>>) target(%arg6 : memref<2x128xi32, #tpu.memory_space<vmem>>) target_semaphore(%arg7 : memref<!tpu.dma_semaphore, #tpu.memory_space<semaphore_mem>>)
    %mul3A_6 = arith.constant 128 : i32
    %mul3A_7 = arith.muli %mul3A_2, %mul3A_6 : i32
    %dma_start3A_8 = arith.constant 0 : i32
    %dma_start3A_9 = tpu.memref_slice %arg2[%mul3A_7, %dma_start3A_8] : memref<8192x768xf32, #tpu.memory_space<hbm>> -> memref<128x768xf32, #tpu.memory_space<hbm>>
    %dma_start3A_10 = arith.constant 0 : i32
    %dma_start3A_11 = tpu.memref_slice %arg2[%mul3A_7, %dma_start3A_10] : memref<8192x768xf32, #tpu.memory_space<hbm>> -> memref<128x768xf32, #tpu.memory_space<hbm>>
    tpu.enqueue_dma source(%dma_start3A_11 : memref<128x768xf32, #tpu.memory_space<hbm>>) target(%arg5 : memref<128x768xf32, #tpu.memory_space<vmem>>) target_semaphore(%arg8 : memref<!tpu.dma_semaphore, #tpu.memory_space<semaphore_mem>>)
    %dma_wait3A = arith.constant 0 : i32
    %dma_wait3A_12 = tpu.memref_slice %arg3[%mul3A_2, %dma_wait3A] : memref<64x128xi32, #tpu.memory_space<hbm>> -> memref<2x128xi32, #tpu.memory_space<hbm>>
    %dma_wait3A_13 = arith.constant 0 : i32
    %dma_wait3A_14 = tpu.memref_slice %arg3[%mul3A_2, %dma_wait3A_13] : memref<64x128xi32, #tpu.memory_space<hbm>> -> memref<2x128xi32, #tpu.memory_space<hbm>>
    tpu.wait_dma2 semaphore(%arg7 : memref<!tpu.dma_semaphore, #tpu.memory_space<semaphore_mem>>) src(%dma_wait3A_14 : memref<2x128xi32, #tpu.memory_space<hbm>>) dst(%arg6 : memref<2x128xi32, #tpu.memory_space<vmem>>)
    %add3A_15 = arith.constant 0 : i32
    %add3A_16 = arith.addi %mul3A_2, %add3A_15 : i32
    %mul3A_17 = arith.constant 128 : i32
    %mul3A_18 = arith.muli %add3A_16, %mul3A_17 : i32
    %dma_wait3A_19 = arith.constant 0 : i32
    %dma_wait3A_20 = tpu.memref_slice %arg2[%mul3A_18, %dma_wait3A_19] : memref<8192x768xf32, #tpu.memory_space<hbm>> -> memref<128x768xf32, #tpu.memory_space<hbm>>
    %dma_wait3A_21 = arith.constant 0 : i32
    %dma_wait3A_22 = tpu.memref_slice %arg2[%mul3A_18, %dma_wait3A_21] : memref<8192x768xf32, #tpu.memory_space<hbm>> -> memref<128x768xf32, #tpu.memory_space<hbm>>
    tpu.wait_dma2 semaphore(%arg8 : memref<!tpu.dma_semaphore, #tpu.memory_space<semaphore_mem>>) src(%dma_wait3A_22 : memref<128x768xf32, #tpu.memory_space<hbm>>) dst(%arg5 : memref<128x768xf32, #tpu.memory_space<vmem>>)
    %run_scoped3A = arith.constant 0 : i32
    "tpu.region"() ({
      %run_scoped3A_42 = tpu.sem_alloc : memref<!tpu.dma_semaphore, #tpu.memory_space<semaphore_mem>>
      %dma_start3A_43 = arith.constant 0 : i32
      %dma_start3A_44 = tpu.memref_slice %arg6[%run_scoped3A, %dma_start3A_43] : memref<2x128xi32, #tpu.memory_space<vmem>> -> memref<1x128xi32, #tpu.memory_space<vmem>>
      %dma_start3A_45 = tpu.memref_squeeze %dma_start3A_44 : memref<1x128xi32, #tpu.memory_space<vmem>> -> memref<128xi32, #tpu.memory_space<vmem>>
      %dma_start3A_46 = arith.constant 0 : i32
      %dma_start3A_47 = arith.constant 0 : i32
      %dma_start3A_48 = tpu.memref_slice %arg4[%dma_start3A_46, %dma_start3A_47] : memref<10400x768xf32, #tpu.memory_space<hbm>> -> memref<10400x768xf32, #tpu.memory_space<hbm>>
      tpu.enqueue_indirect_dma source(%arg5 : memref<128x768xf32, #tpu.memory_space<vmem>>) target(%dma_start3A_48 : memref<10400x768xf32, #tpu.memory_space<hbm>>) offsets(%dma_start3A_45 : memref<128xi32, #tpu.memory_space<vmem>>) semaphore(%run_scoped3A_42 : memref<!tpu.dma_semaphore, #tpu.memory_space<semaphore_mem>>)
      %dma_wait3A_49 = arith.constant 0 : i32
      %dma_wait3A_50 = tpu.memref_slice %arg6[%run_scoped3A, %dma_wait3A_49] : memref<2x128xi32, #tpu.memory_space<vmem>> -> memref<1x128xi32, #tpu.memory_space<vmem>>
      %dma_wait3A_51 = tpu.memref_squeeze %dma_wait3A_50 : memref<1x128xi32, #tpu.memory_space<vmem>> -> memref<128xi32, #tpu.memory_space<vmem>>
      %dma_wait3A_52 = arith.constant 0 : i32
      %dma_wait3A_53 = arith.constant 0 : i32
      %dma_wait3A_54 = tpu.memref_slice %arg4[%dma_wait3A_52, %dma_wait3A_53] : memref<10400x768xf32, #tpu.memory_space<hbm>> -> memref<10400x768xf32, #tpu.memory_space<hbm>>
      tpu.wait_indirect_dma semaphore(%run_scoped3A_42 : memref<!tpu.dma_semaphore, #tpu.memory_space<semaphore_mem>>) src(%arg5 : memref<128x768xf32, #tpu.memory_space<vmem>>) dst(%dma_wait3A_54 : memref<10400x768xf32, #tpu.memory_space<hbm>>)
      tpu.yield
    }) : () -> ()
    %add3A_23 = arith.constant 0 : i32
    %add3A_24 = arith.addi %mul3A_2, %add3A_23 : i32
    %add3A_25 = arith.constant 1 : i32
    %add3A_26 = arith.addi %add3A_24, %add3A_25 : i32
    %mul3A_27 = arith.constant 128 : i32
    %mul3A_28 = arith.muli %add3A_26, %mul3A_27 : i32
    %dma_start3A_29 = arith.constant 0 : i32
    %dma_start3A_30 = tpu.memref_slice %arg2[%mul3A_28, %dma_start3A_29] : memref<8192x768xf32, #tpu.memory_space<hbm>> -> memref<128x768xf32, #tpu.memory_space<hbm>>
    %dma_start3A_31 = arith.constant 0 : i32
    %dma_start3A_32 = tpu.memref_slice %arg2[%mul3A_28, %dma_start3A_31] : memref<8192x768xf32, #tpu.memory_space<hbm>> -> memref<128x768xf32, #tpu.memory_space<hbm>>
    tpu.enqueue_dma source(%dma_start3A_32 : memref<128x768xf32, #tpu.memory_space<hbm>>) target(%arg5 : memref<128x768xf32, #tpu.memory_space<vmem>>) target_semaphore(%arg8 : memref<!tpu.dma_semaphore, #tpu.memory_space<semaphore_mem>>)
    %add3A_33 = arith.constant 1 : i32
    %add3A_34 = arith.addi %mul3A_2, %add3A_33 : i32
    %mul3A_35 = arith.constant 128 : i32
    %mul3A_36 = arith.muli %add3A_34, %mul3A_35 : i32
    %dma_wait3A_37 = arith.constant 0 : i32
    %dma_wait3A_38 = tpu.memref_slice %arg2[%mul3A_36, %dma_wait3A_37] : memref<8192x768xf32, #tpu.memory_space<hbm>> -> memref<128x768xf32, #tpu.memory_space<hbm>>
    %dma_wait3A_39 = arith.constant 0 : i32
    %dma_wait3A_40 = tpu.memref_slice %arg2[%mul3A_36, %dma_wait3A_39] : memref<8192x768xf32, #tpu.memory_space<hbm>> -> memref<128x768xf32, #tpu.memory_space<hbm>>
    tpu.wait_dma2 semaphore(%arg8 : memref<!tpu.dma_semaphore, #tpu.memory_space<semaphore_mem>>) src(%dma_wait3A_40 : memref<128x768xf32, #tpu.memory_space<hbm>>) dst(%arg5 : memref<128x768xf32, #tpu.memory_space<vmem>>)
    %run_scoped3A_41 = arith.constant 1 : i32
    "tpu.region"() ({
      %run_scoped3A_42 = tpu.sem_alloc : memref<!tpu.dma_semaphore, #tpu.memory_space<semaphore_mem>>
      %dma_start3A_43 = arith.constant 0 : i32
      %dma_start3A_44 = tpu.memref_slice %arg6[%run_scoped3A_41, %dma_start3A_43] : memref<2x128xi32, #tpu.memory_space<vmem>> -> memref<1x128xi32, #tpu.memory_space<vmem>>
      %dma_start3A_45 = tpu.memref_squeeze %dma_start3A_44 : memref<1x128xi32, #tpu.memory_space<vmem>> -> memref<128xi32, #tpu.memory_space<vmem>>
      %dma_start3A_46 = arith.constant 0 : i32
      %dma_start3A_47 = arith.constant 0 : i32
      %dma_start3A_48 = tpu.memref_slice %arg4[%dma_start3A_46, %dma_start3A_47] : memref<10400x768xf32, #tpu.memory_space<hbm>> -> memref<10400x768xf32, #tpu.memory_space<hbm>>
      tpu.enqueue_indirect_dma source(%arg5 : memref<128x768xf32, #tpu.memory_space<vmem>>) target(%dma_start3A_48 : memref<10400x768xf32, #tpu.memory_space<hbm>>) offsets(%dma_start3A_45 : memref<128xi32, #tpu.memory_space<vmem>>) semaphore(%run_scoped3A_42 : memref<!tpu.dma_semaphore, #tpu.memory_space<semaphore_mem>>)
      %dma_wait3A_49 = arith.constant 0 : i32
      %dma_wait3A_50 = tpu.memref_slice %arg6[%run_scoped3A_41, %dma_wait3A_49] : memref<2x128xi32, #tpu.memory_space<vmem>> -> memref<1x128xi32, #tpu.memory_space<vmem>>
      %dma_wait3A_51 = tpu.memref_squeeze %dma_wait3A_50 : memref<1x128xi32, #tpu.memory_space<vmem>> -> memref<128xi32, #tpu.memory_space<vmem>>
      %dma_wait3A_52 = arith.constant 0 : i32
      %dma_wait3A_53 = arith.constant 0 : i32
      %dma_wait3A_54 = tpu.memref_slice %arg4[%dma_wait3A_52, %dma_wait3A_53] : memref<10400x768xf32, #tpu.memory_space<hbm>> -> memref<10400x768xf32, #tpu.memory_space<hbm>>
      tpu.wait_indirect_dma semaphore(%run_scoped3A_42 : memref<!tpu.dma_semaphore, #tpu.memory_space<semaphore_mem>>) src(%arg5 : memref<128x768xf32, #tpu.memory_space<vmem>>) dst(%dma_wait3A_54 : memref<10400x768xf32, #tpu.memory_space<hbm>>)
      tpu.yield
    }) : () -> ()
    return
  }
}

module attributes {stable_mosaic.version = 14 : i64} {
  func.func @_router_body(%arg0: i32, %arg1: memref<1024x768xf32, #tpu.memory_space<vmem>>, %arg2: memref<768x64xf32, #tpu.memory_space<vmem>>, %arg3: memref<1x64xf32, #tpu.memory_space<vmem>>, %arg4: memref<1x1x1024xi32, #tpu.memory_space<vmem>>, %arg5: memref<1x64xf32, #tpu.memory_space<vmem>>) attributes {dimension_semantics = [#tpu.dimension_semantics<arbitrary>], iteration_bounds = array<i64: 8>, scalar_prefetch = 0 : i64, scratch_operands = 1 : i64, tpu.core_type = #tpu.core_type<tc>, window_params = [{transform_indices = @transform_0, window_bounds = array<i64: 1024, 768>}, {pipeline_mode = #tpu.pipeline_mode<synchronous>, transform_indices = @transform_1, window_bounds = array<i64: 768, 64>}, {pipeline_mode = #tpu.pipeline_mode<synchronous>, transform_indices = @transform_2, window_bounds = array<i64: 1, 64>}, {transform_indices = @transform_3, window_bounds = array<i64: 1, 1, 1024>}]} {
    %eq3A = arith.constant 0 : i32
    %eq3A_0 = arith.cmpi eq, %arg0, %eq3A : i32
    %convert_element_type3A = arith.extui %eq3A_0 : i1 to i32
    %cond3A = arith.constant 0 : i32
    %cond3A_1 = arith.cmpi ne, %convert_element_type3A, %cond3A : i32
    scf.if %cond3A_1 {
      %broadcast_in_dim3A_60 = arith.constant 0.000000e+00 : f32
      %broadcast_in_dim3A_61 = vector.broadcast %broadcast_in_dim3A_60 : f32 to vector<1x64xf32>
      %swap3A_62 = arith.constant 0 : index
      %swap3A_63 = arith.constant 0 : index
      %swap3A_64 = vector.load %arg5[%swap3A_62, %swap3A_63] : memref<1x64xf32, #tpu.memory_space<vmem>>, vector<1x64xf32>
      tpu.vector_store %arg5[%swap3A_62, %swap3A_63], %broadcast_in_dim3A_61 {strides = array<i32>} : memref<1x64xf32, #tpu.memory_space<vmem>>, vector<1x64xf32>,
    } else {
    }
    %get3A = arith.constant 0 : index
    %get3A_2 = arith.constant 0 : index
    %get3A_3 = vector.load %arg1[%get3A, %get3A_2] : memref<1024x768xf32, #tpu.memory_space<vmem>>, vector<1024x768xf32>
    %get3A_4 = arith.constant 0 : index
    %get3A_5 = arith.constant 0 : index
    %get3A_6 = vector.load %arg2[%get3A_4, %get3A_5] : memref<768x64xf32, #tpu.memory_space<vmem>>, vector<768x64xf32>
    %dot_general3A = arith.constant dense<0.000000e+00> : vector<1024x64xf32>
    %dot_general3A_7 = tpu.matmul %get3A_3, %get3A_6, %dot_general3A {dimension_numbers = #tpu.dot_dimension_numbers<[1], [0], [0], [1], [0, 0, 1, 1], [], []>, transpose_lhs_hint = false} : vector<1024x768xf32>, vector<768x64xf32>, vector<1024x64xf32> -> vector<1024x64xf32>
    %get3A_8 = arith.constant 0 : index
    %get3A_9 = arith.constant 0 : index
    %get3A_10 = vector.load %arg3[%get3A_8, %get3A_9] : memref<1x64xf32, #tpu.memory_space<vmem>>, vector<1x64xf32>
    %add3A = vector.broadcast %get3A_10 : vector<1x64xf32> to vector<1024x64xf32>
    %add3A_11 = arith.addf %dot_general3A_7, %add3A : vector<1024x64xf32>
    %reduce_max3A = arith.constant dense<0xFF800000> : vector<1024xf32>
    %reduce_max3A_12 = vector.multi_reduction <maximumf>, %add3A_11, %reduce_max3A [1] : vector<1024x64xf32> to vector<1024xf32>
    %broadcast_in_dim3A = vector.shape_cast %reduce_max3A_12 : vector<1024xf32> to vector<1024x1xf32>
    %iota3A = tpu.iota {dimensions = array<i32: 1>} : vector<1024x64xi32>
    %eq3A_13 = vector.broadcast %broadcast_in_dim3A : vector<1024x1xf32> to vector<1024x64xf32>
    %eq3A_14 = arith.cmpf oeq, %add3A_11, %eq3A_13 : vector<1024x64xf32>
    %jit3A = arith.constant 64 : i32
    %broadcast_in_dim3A_15 = vector.broadcast %jit3A : i32 to vector<1024x64xi32>
    %select_n3A = arith.select %eq3A_14, %iota3A, %broadcast_in_dim3A_15 : vector<1024x64xi1>, vector<1024x64xi32>
    %reduce_min3A = arith.constant dense<2147483647> : vector<1024xi32>
    %reduce_min3A_16 = vector.multi_reduction <minsi>, %select_n3A, %reduce_min3A [1] : vector<1024x64xi32> to vector<1024xi32>
    %broadcast_in_dim3A_17 = vector.shape_cast %reduce_min3A_16 : vector<1024xi32> to vector<1024x1xi32>
    %eq3A_18 = vector.broadcast %broadcast_in_dim3A_17 : vector<1024x1xi32> to vector<1024x64xi32>
    %eq3A_19 = arith.cmpi eq, %iota3A, %eq3A_18 : vector<1024x64xi32>
    %convert_element_type3A_20 = arith.extui %eq3A_19 : vector<1024x64xi1> to vector<1024x64xi32>
    %convert_element_type3A_21 = arith.sitofp %convert_element_type3A_20 : vector<1024x64xi32> to vector<1024x64xf32>
    %iota3A_22 = tpu.iota {dimensions = array<i32: 0>} : vector<1024x1024xi32>
    %iota3A_23 = tpu.iota {dimensions = array<i32: 1>} : vector<1024x1024xi32>
    %ge3A = arith.cmpi sge, %iota3A_22, %iota3A_23 : vector<1024x1024xi32>
    %convert_element_type3A_24 = arith.extui %ge3A : vector<1024x1024xi1> to vector<1024x1024xi32>
    %convert_element_type3A_25 = arith.sitofp %convert_element_type3A_24 : vector<1024x1024xi32> to vector<1024x1024xf32>
    %dot_general3A_26 = arith.constant dense<0.000000e+00> : vector<1024x64xf32>
    %dot_general3A_27 = tpu.matmul %convert_element_type3A_25, %convert_element_type3A_21, %dot_general3A_26 {dimension_numbers = #tpu.dot_dimension_numbers<[1], [0], [0], [1], [0, 0, 1, 1], [], []>, transpose_lhs_hint = false} : vector<1024x1024xf32>, vector<1024x64xf32>, vector<1024x64xf32> -> vector<1024x64xf32>
    %get3A_28 = arith.constant 0 : index
    %get3A_29 = arith.constant 0 : index
    %get3A_30 = vector.load %arg5[%get3A_28, %get3A_29] : memref<1x64xf32, #tpu.memory_space<vmem>>, vector<1x64xf32>
    %add3A_31 = vector.broadcast %get3A_30 : vector<1x64xf32> to vector<1024x64xf32>
    %add3A_32 = arith.addf %dot_general3A_27, %add3A_31 : vector<1024x64xf32>
    %mul3A = arith.mulf %add3A_32, %convert_element_type3A_21 : vector<1024x64xf32>
    %reduce_sum3A = arith.constant dense<0.000000e+00> : vector<1024xf32>
    %reduce_sum3A_33 = vector.multi_reduction <add>, %mul3A, %reduce_sum3A [1] : vector<1024x64xf32> to vector<1024xf32>
    %broadcast_in_dim3A_34 = vector.shape_cast %reduce_sum3A_33 : vector<1024xf32> to vector<1024x1xf32>
    %sub3A = arith.constant 1.000000e+00 : f32
    %sub3A_35 = vector.broadcast %sub3A : f32 to vector<1024x1xf32>
    %sub3A_36 = arith.subf %broadcast_in_dim3A_34, %sub3A_35 : vector<1024x1xf32>
    %convert_element_type3A_37 = arith.fptosi %sub3A_36 : vector<1024x1xf32> to vector<1024x1xi32>
    %get3A_38 = arith.constant 0 : index
    %get3A_39 = arith.constant 0 : index
    %get3A_40 = vector.load %arg5[%get3A_38, %get3A_39] : memref<1x64xf32, #tpu.memory_space<vmem>>, vector<1x64xf32>
    %slice3A = vector.extract_strided_slice %dot_general3A_27 {offsets = [1023, 0], sizes = [1, 64], strides = [1, 1]} : vector<1024x64xf32> to vector<1x64xf32>
    %add3A_41 = arith.addf %get3A_40, %slice3A : vector<1x64xf32>
    %swap3A = arith.constant 0 : index
    %swap3A_42 = arith.constant 0 : index
    %swap3A_43 = vector.load %arg5[%swap3A, %swap3A_42] : memref<1x64xf32, #tpu.memory_space<vmem>>, vector<1x64xf32>
    tpu.vector_store %arg5[%swap3A, %swap3A_42], %add3A_41 {strides = array<i32>} : memref<1x64xf32, #tpu.memory_space<vmem>>, vector<1x64xf32>,
    %lt3A = arith.constant 160 : i32
    %lt3A_44 = vector.broadcast %lt3A : i32 to vector<1024x1xi32>
    %lt3A_45 = arith.cmpi slt, %convert_element_type3A_37, %lt3A_44 : vector<1024x1xi32>
    %add3A_46 = arith.constant 1 : i32
    %add3A_47 = vector.broadcast %add3A_46 : i32 to vector<1024x1xi32>
    %add3A_48 = arith.addi %broadcast_in_dim3A_17, %add3A_47 : vector<1024x1xi32>
    %mul3A_49 = arith.constant 160 : i32
    %mul3A_50 = vector.broadcast %mul3A_49 : i32 to vector<1024x1xi32>
    %mul3A_51 = arith.muli %add3A_48, %mul3A_50 : vector<1024x1xi32>
    %add3A_52 = arith.addi %mul3A_51, %convert_element_type3A_37 : vector<1024x1xi32>
    %jit3A_53 = arith.constant 0 : i32
    %broadcast_in_dim3A_54 = vector.broadcast %jit3A_53 : i32 to vector<1024x1xi32>
    %select_n3A_55 = arith.select %lt3A_45, %add3A_52, %broadcast_in_dim3A_54 : vector<1024x1xi1>, vector<1024x1xi32>
    %transpose3A = tpu.transpose %select_n3A_55, [1, 0] : vector<1024x1xi32> -> vector<1x1024xi32>
    %reshape3A = vector.shape_cast %transpose3A : vector<1x1024xi32> to vector<1x1x1024xi32>
    %swap3A_56 = arith.constant 0 : index
    %swap3A_57 = arith.constant 0 : index
    %swap3A_58 = arith.constant 0 : index
    %swap3A_59 = vector.load %arg4[%swap3A_56, %swap3A_57, %swap3A_58] : memref<1x1x1024xi32, #tpu.memory_space<vmem>>, vector<1x1x1024xi32>
    tpu.vector_store %arg4[%swap3A_56, %swap3A_57, %swap3A_58], %reshape3A {strides = array<i32>} : memref<1x1x1024xi32, #tpu.memory_space<vmem>>, vector<1x1x1024xi32>,
    return
  }
  func.func @transform_0(%arg0: i32) -> (i32, i32) {
    %c0_i32 = arith.constant 0 : i32
    %c0_i32_0 = arith.constant 0 : i32
    return %arg0, %c0_i32 : i32, i32
  }
  func.func @transform_1(%arg0: i32) -> (i32, i32) {
    %c0_i32 = arith.constant 0 : i32
    %c0_i32_0 = arith.constant 0 : i32
    %c0_i32_1 = arith.constant 0 : i32
    return %c0_i32, %c0_i32_0 : i32, i32
  }
  func.func @transform_2(%arg0: i32) -> (i32, i32) {
    %c0_i32 = arith.constant 0 : i32
    %c0_i32_0 = arith.constant 0 : i32
    %c0_i32_1 = arith.constant 0 : i32
    return %c0_i32, %c0_i32_0 : i32, i32
  }
  func.func @transform_3(%arg0: i32) -> (i32, i32, i32) {
    %c0_i32 = arith.constant 0 : i32
    %c0_i32_0 = arith.constant 0 : i32
    %c0_i32_1 = arith.constant 0 : i32
    return %arg0, %c0_i32, %c0_i32_0 : i32, i32, i32
  }
}

module attributes {stable_mosaic.version = 14 : i64} {
  func.func @_ffn_body(%arg0: i32, %arg1: memref<160x768xf32, #tpu.memory_space<vmem>>, %arg2: memref<1x768x768xf32, #tpu.memory_space<vmem>>, %arg3: memref<1x1x768xf32, #tpu.memory_space<vmem>>, %arg4: memref<1x768x768xf32, #tpu.memory_space<vmem>>, %arg5: memref<1x1x768xf32, #tpu.memory_space<vmem>>, %arg6: memref<160x768xf32, #tpu.memory_space<vmem>>) attributes {dimension_semantics = [#tpu.dimension_semantics<arbitrary>], iteration_bounds = array<i64: 65>, scalar_prefetch = 0 : i64, scratch_operands = 0 : i64, tpu.core_type = #tpu.core_type<tc>, window_params = [{transform_indices = @transform_0, window_bounds = array<i64: 160, 768>}, {transform_indices = @transform_1, window_bounds = array<i64: 1, 768, 768>}, {transform_indices = @transform_2, window_bounds = array<i64: 1, 1, 768>}, {transform_indices = @transform_3, window_bounds = array<i64: 1, 768, 768>}, {transform_indices = @transform_4, window_bounds = array<i64: 1, 1, 768>}, {transform_indices = @transform_5, window_bounds = array<i64: 160, 768>}]} {
    %eq3A = arith.constant 0 : i32
    %eq3A_0 = arith.cmpi eq, %arg0, %eq3A : i32
    %convert_element_type3A = arith.extui %eq3A_0 : i1 to i32
    %cond3A = arith.constant 0 : i32
    %cond3A_1 = arith.cmpi ne, %convert_element_type3A, %cond3A : i32
    scf.if %cond3A_1 {
      %broadcast_in_dim3A = arith.constant 0.000000e+00 : f32
      %broadcast_in_dim3A_6 = vector.broadcast %broadcast_in_dim3A : f32 to vector<160x768xf32>
      %swap3A = arith.constant 0 : index
      %swap3A_7 = arith.constant 0 : index
      %swap3A_8 = vector.load %arg6[%swap3A, %swap3A_7] : memref<160x768xf32, #tpu.memory_space<vmem>>, vector<160x768xf32>
      tpu.vector_store %arg6[%swap3A, %swap3A_7], %broadcast_in_dim3A_6 {strides = array<i32>} : memref<160x768xf32, #tpu.memory_space<vmem>>, vector<160x768xf32>,
    } else {
    }
    %gt3A = arith.constant 0 : i32
    %gt3A_2 = arith.cmpi sgt, %arg0, %gt3A : i32
    %convert_element_type3A_3 = arith.extui %gt3A_2 : i1 to i32
    %cond3A_4 = arith.constant 0 : i32
    %cond3A_5 = arith.cmpi ne, %convert_element_type3A_3, %cond3A_4 : i32
    scf.if %cond3A_5 {
      %get3A = arith.constant 0 : index
      %get3A_6 = arith.constant 0 : index
      %get3A_7 = vector.load %arg1[%get3A, %get3A_6] : memref<160x768xf32, #tpu.memory_space<vmem>>, vector<160x768xf32>
      %get3A_8 = arith.constant 0 : index
      %get3A_9 = arith.constant 0 : index
      %get3A_10 = arith.constant 0 : index
      %get3A_11 = vector.load %arg2[%get3A_8, %get3A_9, %get3A_10] : memref<1x768x768xf32, #tpu.memory_space<vmem>>, vector<1x768x768xf32>
      %get3A_12 = vector.shape_cast %get3A_11 : vector<1x768x768xf32> to vector<768x768xf32>
      %dot_general3A = arith.constant dense<0.000000e+00> : vector<160x768xf32>
      %dot_general3A_13 = tpu.matmul %get3A_7, %get3A_12, %dot_general3A {dimension_numbers = #tpu.dot_dimension_numbers<[1], [0], [0], [1], [0, 0, 1, 1], [], []>, transpose_lhs_hint = false} : vector<160x768xf32>, vector<768x768xf32>, vector<160x768xf32> -> vector<160x768xf32>
      %get3A_14 = arith.constant 0 : index
      %get3A_15 = arith.constant 0 : index
      %get3A_16 = arith.constant 0 : index
      %get3A_17 = vector.load %arg3[%get3A_14, %get3A_15, %get3A_16] : memref<1x1x768xf32, #tpu.memory_space<vmem>>, vector<1x1x768xf32>
      %get3A_18 = vector.shape_cast %get3A_17 : vector<1x1x768xf32> to vector<1x768xf32>
      %add3A = vector.broadcast %get3A_18 : vector<1x768xf32> to vector<160x768xf32>
      %add3A_19 = arith.addf %dot_general3A_13, %add3A : vector<160x768xf32>
      %mul3A = arith.constant 5.000000e-01 : f32
      %mul3A_20 = vector.broadcast %mul3A : f32 to vector<160x768xf32>
      %mul3A_21 = arith.mulf %mul3A_20, %add3A_19 : vector<160x768xf32>
      %mul3A_22 = arith.constant 0.707106769 : f32
      %mul3A_23 = vector.broadcast %mul3A_22 : f32 to vector<160x768xf32>
      %mul3A_24 = arith.mulf %add3A_19, %mul3A_23 : vector<160x768xf32>
      %erf3A = math.erf %mul3A_24 : vector<160x768xf32>
      %add3A_25 = arith.constant 1.000000e+00 : f32
      %add3A_26 = vector.broadcast %add3A_25 : f32 to vector<160x768xf32>
      %add3A_27 = arith.addf %add3A_26, %erf3A : vector<160x768xf32>
      %mul3A_28 = arith.mulf %mul3A_21, %add3A_27 : vector<160x768xf32>
      %get3A_29 = arith.constant 0 : index
      %get3A_30 = arith.constant 0 : index
      %get3A_31 = arith.constant 0 : index
      %get3A_32 = vector.load %arg4[%get3A_29, %get3A_30, %get3A_31] : memref<1x768x768xf32, #tpu.memory_space<vmem>>, vector<1x768x768xf32>
      %get3A_33 = vector.shape_cast %get3A_32 : vector<1x768x768xf32> to vector<768x768xf32>
      %dot_general3A_34 = arith.constant dense<0.000000e+00> : vector<160x768xf32>
      %dot_general3A_35 = tpu.matmul %mul3A_28, %get3A_33, %dot_general3A_34 {dimension_numbers = #tpu.dot_dimension_numbers<[1], [0], [0], [1], [0, 0, 1, 1], [], []>, transpose_lhs_hint = false} : vector<160x768xf32>, vector<768x768xf32>, vector<160x768xf32> -> vector<160x768xf32>
      %get3A_36 = arith.constant 0 : index
      %get3A_37 = arith.constant 0 : index
      %get3A_38 = arith.constant 0 : index
      %get3A_39 = vector.load %arg5[%get3A_36, %get3A_37, %get3A_38] : memref<1x1x768xf32, #tpu.memory_space<vmem>>, vector<1x1x768xf32>
      %get3A_40 = vector.shape_cast %get3A_39 : vector<1x1x768xf32> to vector<1x768xf32>
      %add3A_41 = vector.broadcast %get3A_40 : vector<1x768xf32> to vector<160x768xf32>
      %add3A_42 = arith.addf %dot_general3A_35, %add3A_41 : vector<160x768xf32>
      %swap3A = arith.constant 0 : index
      %swap3A_43 = arith.constant 0 : index
      %swap3A_44 = vector.load %arg6[%swap3A, %swap3A_43] : memref<160x768xf32, #tpu.memory_space<vmem>>, vector<160x768xf32>
      tpu.vector_store %arg6[%swap3A, %swap3A_43], %add3A_42 {strides = array<i32>} : memref<160x768xf32, #tpu.memory_space<vmem>>, vector<160x768xf32>,
    } else {
    }
    return
  }
  func.func @transform_0(%arg0: i32) -> (i32, i32) {
    %c0_i32 = arith.constant 0 : i32
    %c0_i32_0 = arith.constant 0 : i32
    return %arg0, %c0_i32 : i32, i32
  }
  func.func @transform_1(%arg0: i32) -> (i32, i32, i32) {
    %sub3A = arith.constant 1 : i32
    %sub3A_0 = arith.subi %arg0, %sub3A : i32
    %max3A = arith.constant 0 : i32
    %max3A_1 = arith.maxsi %sub3A_0, %max3A : i32
    %c0_i32 = arith.constant 0 : i32
    %c0_i32_2 = arith.constant 0 : i32
    %c0_i32_3 = arith.constant 0 : i32
    return %max3A_1, %c0_i32, %c0_i32_2 : i32, i32, i32
  }
  func.func @transform_2(%arg0: i32) -> (i32, i32, i32) {
    %sub3A = arith.constant 1 : i32
    %sub3A_0 = arith.subi %arg0, %sub3A : i32
    %max3A = arith.constant 0 : i32
    %max3A_1 = arith.maxsi %sub3A_0, %max3A : i32
    %c0_i32 = arith.constant 0 : i32
    %c0_i32_2 = arith.constant 0 : i32
    %c0_i32_3 = arith.constant 0 : i32
    return %max3A_1, %c0_i32, %c0_i32_2 : i32, i32, i32
  }
  func.func @transform_3(%arg0: i32) -> (i32, i32, i32) {
    %sub3A = arith.constant 1 : i32
    %sub3A_0 = arith.subi %arg0, %sub3A : i32
    %max3A = arith.constant 0 : i32
    %max3A_1 = arith.maxsi %sub3A_0, %max3A : i32
    %c0_i32 = arith.constant 0 : i32
    %c0_i32_2 = arith.constant 0 : i32
    %c0_i32_3 = arith.constant 0 : i32
    return %max3A_1, %c0_i32, %c0_i32_2 : i32, i32, i32
  }
  func.func @transform_4(%arg0: i32) -> (i32, i32, i32) {
    %sub3A = arith.constant 1 : i32
    %sub3A_0 = arith.subi %arg0, %sub3A : i32
    %max3A = arith.constant 0 : i32
    %max3A_1 = arith.maxsi %sub3A_0, %max3A : i32
    %c0_i32 = arith.constant 0 : i32
    %c0_i32_2 = arith.constant 0 : i32
    %c0_i32_3 = arith.constant 0 : i32
    return %max3A_1, %c0_i32, %c0_i32_2 : i32, i32, i32
  }
  func.func @transform_5(%arg0: i32) -> (i32, i32) {
    %c0_i32 = arith.constant 0 : i32
    %c0_i32_0 = arith.constant 0 : i32
    return %arg0, %c0_i32 : i32, i32
  }
}

</mosaic_0001>

<sc_bundles>
// kernel: kernel.6.cloned.1.call-start
scs
__scs_entry_jumppad:
0x0: {  	(pc) =	sbr.rel $0x88, $3  }
0x1: {  	(tag) =	ssettag $0x0;
	lr =	simm.s32 $0x1  }
0x2: {  	[smem:$0x3F9A] =	sst lr;
	_ =	strace $0xD0000000  }
0x3: {  	_ = 	snop  }
0x4: {  	_ = 	snop  }
0x5: {  	_ = 	snop  }
0x6: {  	_ = 	snop  }
0x7: {  	_ = 	snop  }
__scs_overlays_trampoline_lowered:
0x8: {  	[smem:$0x3FA9] =	sst s0  }
0x9: {  	[smem:$0x3FAA] =	sst s1  }
0xa: {  	[smem:$0x3FAB] =	sst s2  }
0xb: {  	[smem:$0x3FAC] =	sst s3  }
0xc: {  	[smem:$0x3FAD] =	sst s4  }
0xd: {  	[smem:$0x3FAE] =	sst s5  }
0xe: {  	[smem:$0x3FAF] =	sst s6  }
0xf: {  	[smem:$0x3FB0] =	sst s7  }
0x10: {  	[smem:$0x3FB1] =	sst s8  }
0x11: {  	[smem:$0x3FB2] =	sst s9;
	s0 =	simm.s32 @!p0 $0x0  }
0x12: {  	s1 =	sld [smem:$0x3F98];
	s0 =	simm.s32 @p0 $0x1  }
0x13: {  	[smem:$0x3FB3] =	sst s0;
	s0 =	simm.s32 @!p1 $0x0  }
0x14: {  	s2 =	sld [smem:$0x3F97];
	s0 =	simm.s32 @p1 $0x1  }
0x15: {  	[smem:$0x3FB4] =	sst s0;
	s0 =	simm.s32 @!p2 $0x0  }
0x16: {  	s3 =	sld [smem:$0x3FDB];
	s0 =	simm.s32 @p2 $0x1  }
0x17: {  	s4 =	simm.s32 $0x1BF5;
	[smem:$0x3FB6] =	sst s0  }
0x18: {  	s0 =	sld [smem:$0x3F99];
	_ =	swait.ge [sflag:s4], $0x0  }
0x19: {  	s7 =	sld [smem:$0x3F9A]  }
0x1a: {  	s8 =	sadd.s32 $0xFFFFE003, lr  }
0x1b: {  	s9 =	sadd.s32 $0xFFFFFEF7, lr;
	s5 =	simm.s32 $0xFFFFFFFF;
	p2 =	slt.u32 s8, $0xFFFFF086  }
0x1c: {  	p1 =	slt.u32 s9, $0xF7A;
	s5 =	simm.s32 @!p2 $0x0  }
0x1d: {  	s5 =	simm.s32 @p1 $0x1;
	p0 =	seq.s32 s7, s2  }
0x1e: {  	s7 =	smul.u32 @!p0 $0xF7A, s2;
	p2 =	seq.s32 @!p0 s5, $0x0  }
0x1f: {  	s9 =	smul.u32 $0xF7A, s1;
	s8 =	simm.s32 @!p0 $0x1BF5;
	p2 =	por !p2, p0  }
0x20: {  	[sflag:s8] =	ssyncset.s32 @!p0 $0xFFFFF086;
	s6 =	sadd.s32 @!p0 s3, s7;
	s7 =	simm.s32 @!p0 $0x108  }
0x21: {  	s3 =	sadd.s32 s3, s9;
	s6 =	sadd.s32 @!p0 $0x88, s6;
	s7 =	simm.s32 @p2 $0x1082  }
0x22: {  	[simem:s7], [sflag:s8] =	dma.local @!p0 [hbm:s6], $0xF7A  }
0x23: {  	s9 =	sor.u32 $0xD0000000, s2;
	s6 =	simm.s32 $0x108;
	_ =	swait.ge @!p0 [sflag:s8], $0x0  }
0x24: {  	s3 =	sadd.s32 $0x88, s3;
	s6 =	simm.s32 @!p1 $0x1082;
	[sflag:s4] =	ssyncset.s32 $0xFFFFF086  }
0x25: {  	[simem:s6], [sflag:s4] =	dma.local [hbm:s3], $0xF7A  }
0x26: {  	[smem:$0x3F9A] =	sst s1;
	(tag) =	ssettag s2;
	_ =	strace s9  }
0x27: {  	s1 =	sld [smem:$0x3FAA]  }
0x28: {  	s2 =	sld [smem:$0x3FAB]  }
0x29: {  	s4 =	sld [smem:$0x3FAD]  }
0x2a: {  	p0 =	seq.s32 s5, $0x0;
	s5 =	sld [smem:$0x3FAE]  }
0x2b: {  	s6 =	sld [smem:$0x3FAF]  }
0x2c: {  	s7 =	sld [smem:$0x3FB0]  }
0x2d: {  	s3 =	simm.s32 $0x108;
	s8 =	sld [smem:$0x3FB1]  }
0x2e: {  	s3 =	simm.s32 @!p0 $0x1082;
	s9 =	sld [smem:$0x3FB2]  }
0x2f: {  	lr =	sadd.s32 s0, s3;
	s0 =	sld [smem:$0x3FA9]  }
0x30: {  	s3 =	sld [smem:$0x3FAC]  }
0x31: {  	[smem:$0x3FB5] =	sst s10  }
0x32: {  	s10 =	sld [smem:$0x3FB3];
	_ =	sdelay $0x3  }
0x33: {  	p0 =	seq.s32 s10, $0x1;
	s10 =	sld [smem:$0x3FB5];
	_ =	sdelay $0x3  }
0x34: {  	[smem:$0x3FB5] =	sst s10  }
0x35: {  	s10 =	sld [smem:$0x3FB4];
	_ =	sdelay $0x3  }
0x36: {  	p1 =	seq.s32 s10, $0x1;
	s10 =	sld [smem:$0x3FB5];
	_ =	sdelay $0x3  }
0x37: {  	[smem:$0x3FB5] =	sst s10  }
0x38: {  	s10 =	sld [smem:$0x3FB6]  }
0x39: {  	_ = 	snop;
	(pc) =	sbr.ind lr, $3  }
0x3a: {  	_ = 	snop  }
0x3b: {  	_ = 	snop  }
0x3c: {  	p2 =	seq.s32 s10, $0x1;
	s10 =	sld [smem:$0x3FB5]  }
0x3d: {  	_ =	shalt  }
0x3e: {  	_ =	shalt  }
0x3f: {  	_ =	shalt  }
0x40: {  	_ =	shalt  }
0x41: {  	_ =	shalt  }
0x42: {  	_ =	shalt  }
0x43: {  	_ =	shalt  }
0x44: {  	_ =	shalt  }
0x45: {  	_ =	shalt  }
0x46: {  	_ =	shalt  }
0x47: {  	_ =	shalt  }
0x48: {  	_ =	shalt  }
0x49: {  	_ =	shalt  }
0x4a: {  	_ =	shalt  }
0x4b: {  	_ =	shalt  }
0x4c: {  	_ =	shalt  }
0x4d: {  	_ =	shalt  }
0x4e: {  	_ =	shalt  }
0x4f: {  	_ =	shalt  }
0x50: {  	_ =	shalt  }
0x51: {  	_ =	shalt  }
0x52: {  	_ =	shalt  }
0x53: {  	_ =	shalt  }
0x54: {  	_ =	shalt  }
0x55: {  	_ =	shalt  }
0x56: {  	_ =	shalt  }
0x57: {  	_ =	shalt  }
0x58: {  	_ =	shalt  }
0x59: {  	_ =	shalt  }
0x5a: {  	_ =	shalt  }
0x5b: {  	_ =	shalt  }
0x5c: {  	_ =	shalt  }
0x5d: {  	_ =	shalt  }
0x5e: {  	_ =	shalt  }
0x5f: {  	_ =	shalt  }
0x60: {  	_ =	shalt  }
0x61: {  	_ =	shalt  }
0x62: {  	_ =	shalt  }
0x63: {  	_ =	shalt  }
0x64: {  	_ =	shalt  }
0x65: {  	_ =	shalt  }
0x66: {  	_ =	shalt  }
0x67: {  	_ =	shalt  }
0x68: {  	_ =	shalt  }
0x69: {  	_ =	shalt  }
0x6a: {  	_ =	shalt  }
0x6b: {  	_ =	shalt  }
0x6c: {  	_ =	shalt  }
0x6d: {  	_ =	shalt  }
0x6e: {  	_ =	shalt  }
0x6f: {  	_ =	shalt  }
0x70: {  	_ =	shalt  }
0x71: {  	_ =	shalt  }
0x72: {  	_ =	shalt  }
0x73: {  	_ =	shalt  }
0x74: {  	_ =	shalt  }
0x75: {  	_ =	shalt  }
0x76: {  	_ =	shalt  }
0x77: {  	_ =	shalt  }
0x78: {  	_ =	shalt  }
0x79: {  	_ =	shalt  }
0x7a: {  	_ =	shalt  }
0x7b: {  	_ =	shalt  }
0x7c: {  	_ =	shalt  }
0x7d: {  	_ =	shalt  }
0x7e: {  	_ =	shalt  }
0x7f: {  	_ =	shalt  }
0x80: {  	_ =	shalt  }
0x81: {  	_ =	shalt  }
0x82: {  	_ =	shalt  }
0x83: {  	_ =	shalt  }
0x84: {  	_ =	shalt  }
0x85: {  	_ =	shalt  }
0x86: {  	_ =	shalt  }
0x87: {  	_ =	shalt  }
.Lfunc_end0:
.L_simem_size_0:
called_computation_lowered:
.L_overlay_start_0:
0x88: {  	s2 =	sld [smem:$0x3FD9]  }
0x89: {  	s3 =	sld [smem:$0x3FFE];
	_ =	sdelay $0x1  }
0x8a: {  	s1 =	srdreg.scid  }
0x8b: {  	s0 =	sand.u32 $0x1, s1  }
0x8c: {  	s17 =	sshll.u32 s0, $0xA;
	s2 =	sadd.s32 s3, s2  }
0x8d: {  	s2 =	sadd.s32 s2, s17  }
0x8e: {  	[smem:$0x3FC1] =	sst s2  }
0x8f: {  	_ = 	snop  }
0x90: {  	s2 =	sld [smem:$0x3FC9];
	(tm) =	ssettm $0x1  }
0x91: {  	s18 =	sld [smem:$0x3FFB];
	_ =	sdelay $0x3  }
0x92: {  	_ =	strace s18  }
0x93: {  	s3 =	sld [smem:$0x3FFC];
	_ =	sdelay $0x3  }
0x94: {  	_ =	strace s3  }
0x95: {  	s3 =	sld [smem:$0x3FFD];
	_ =	sdelay $0x3  }
0x96: {  	_ =	strace s3  }
0x97: {  	_ =	strace $0x8FFFFFFF  }
0x98: {  	s19 =	sld [smem:$0x3FDB];
	_ =	sdelay $0x1  }
0x99: {  	s4 =	simm.s32 $_scs_section_size  }
0x9a: {  	s5 =	simm.s32 $_size__tile_overlayer_lowered;
	s6 =	simm.s32 $_tile_overlayer_lowered  }
0x9b: {  	s22 =	simm.s32 $0x1BFF;
	s21 =	sshll.u32 s6, $0x1;
	s3 =	sadd.s32 s4, s19  }
0x9c: {  	s7 =	simm.s32 $0x0;
	s20 =	sshll.u32 s5, $0x1;
	s5 =	sadd.s32 s21, s3  }
0x9d: {  	[timem:s7], [sflag:s22] =	dma.local [hbm:s5], s20  }
0x9e: {  	_ =	swait.ge [sflag:s22], s20  }
0x9f: {  	s4 =	ssub.s32 $0x0, s20;
	[sflag:s22] =	ssyncset.done $0x0  }
0xa0: {  	[sflag:s22] =	ssyncadd.s32 s4;
	_ =	sdelay $0x1  }
0xa1: {  	s23 =	simm.s32 $0x1B8B  }
0xa2: {  	_ =	swait.ge [sflag:s23], $0x1  }
0xa3: {  	[sflag:s23] =	ssyncset.done $0x0  }
0xa4: {  	s25 =	simm.s32 $0x1B8E;
	s24 =	sld [smem:$0x3FFE];
	[sflag:s23] =	ssyncadd.s32 $0xFFFFFFFF  }
0xa5: {  	s26 =	simm.s32 $execute0_lowered;
	[smem:$0x3FD2] =	sst s25  }
0xa6: {  	s5 =	sshll.u32 s26, $0x1;
	_ =	strace $0x80000046;
	[dreg:$0x1] =	wrdreg $0xFFFFFFFF  }
0xa7: {  	s28 =	simm.s32 $_size_execute0_lowered;
	s3 =	sadd.s32 s3, s5;
	[dreg:$0x0] =	wrdreg $0x0  }
0xa8: {  	s5 =	sshll.u32 s28, $0x1;
	[dreg:$0x2] =	wrdreg s3  }
0xa9: {  	[dreg:$0x3] =	wrdreg s5  }
0xaa: {  	[dreg:$0x4] =	wrdreg $0xC0  }
0xab: {  	_ =	task [dreg:s7], $0x5FFFF  }
0xac: {  	[dreg:$0x1] =	wrdreg $0xFFFFFFFF  }
0xad: {  	[dreg:$0x0] =	wrdreg $0x60  }
0xae: {  	[dreg:$0x2] =	wrdreg s2  }
0xaf: {  	[dreg:$0x3] =	wrdreg s24  }
0xb0: {  	[dreg:$0x4] =	wrdreg $0x9  }
0xb1: {  	_ =	task.clear_ibuf [dreg:s7], $0x5FFFF;
	_ =	strace $0x90000046  }
0xb2: {  	s29 =	simm.s32 $0x9;
	_ =	strace $0x80000048  }
0xb3: {  	_ =	swait.ge [sflag:s29], $0x1  }
0xb4: {  	[sflag:s29] =	ssyncadd.s32 $0xFFFFFFFF  }
0xb5: {  	_ =	strace $0x90000048  }
0xb6: {  	_ =	sfence  }
0xb7: {  	s30 =	sld [smem:$0x0];
	_ =	sdelay $0x2  }
0xb8: {  	s31 =	sshll.u32 s1, $0xD;
	s1 =	sshrl.u32 s1, $0x2  }
0xb9: {  	s3 =	sand.u32 $0x4000, s31;
	s1 =	sadd.s32 s1, s30  }
0xba: {  	s0 =	sor.u32 s3, s0;
	s1 =	sshll.u32 s1, $0x11  }
0xbb: {  	s0 =	sor.u32 s1, s0  }
0xbc: {  	s0 =	sadd.s32 $0x8F2B, s0  }
0xbd: {  	[sflag:s0] =	ssyncadd.remote.s32 $0x1  }
0xbe: {  	_ =	sfence.sel $0xFFFF  }
0xbf: {  	[dreg:$0x0] =	wrdreg $0xFFFFFFFF;
	(pc) =	sbr.abs _section_cstart, $3  }
0xc0: {  	[dreg:$0x1] =	wrdreg $0xFFFFFFFF  }
0xc1: {  	_ =	task.clear_ibuf [dreg:s7], $0x2FFFF;
	_ =	strace $0x9FFFFFFF  }
0xc2: {  	(tm) =	ssettm $0x7FFFFFFF  }
0xc3: {  	_ =	shalt  }
tec
execute0_lowered:
.L_overlay_start_1:
0x0: {  	(tag) =	ssettag $0x1  }
0x1: {  	s0 =	rddreg [dreg:$0x0]  }
0x2: {  	s1 =	rddreg [dreg:$0x1]  }
0x3: {  	s3 =	srdreg.scid;
	s4 =	stileid.u32  }
0x4: {  	s2 =	simm.s32 $0x0;
	s26 =	simm.s32 $0x18000;
	s12 =	simm.s32 $0x1800  }
0x5: {  	s13 =	simm.s32 $0x2000;
	s14 =	simm.s32 $0x2800;
	s15 =	simm.s32 $0x3000  }
0x6: {  	s16 =	simm.s32 $0x3800;
	s17 =	simm.s32 $0x4000;
	s18 =	simm.s32 $0x4800  }
0x7: {  	s19 =	simm.s32 $0x5000;
	s20 =	simm.s32 $0x5800;
	s21 =	simm.s32 $0x6000  }
0x8: {  	s22 =	simm.s32 $0x6800;
	s23 =	simm.s32 $0x7000;
	s28 =	simm.s32 $0x9000  }
0x9: {  	s29 =	simm.s32 $0x9800;
	s30 =	simm.s32 $0xA000;
	s31 =	simm.s32 $0xA800  }
0xa: {  	s3 =	sand.u32 $0x1, s3;
	s4 =	sshll.u32 s4, $0x1;
	[smem:$0x7FF] =	sst s2  }
0xb: {  	s4 =	sor.u32 s3, s4;
	_ =	strace $0x80000047;
	s7 =	ssub.s32 $0x2, s3  }
0xc: {  	s3 =	sadd.s32 $0x1400, s1;
	[dreg:$0x6] =	wrdreg s26;
	s26 =	simm.s32 $0x8800  }
0xd: {  	s5 =	sshll.u32 s4, $0x5;
	s6 =	smul.u32 $0x6000, s4;
	s8 =	sshrl.u32 s7, $0x1  }
0xe: {  	s4 =	smul.u32 $0x30000, s4;
	s5 =	sadd.s32 s5, s1;
	s25 =	ssub.s32 s7, s8  }
0xf: {  	s8 =	simm.s32 $0xC000;
	s5 =	sadd.s32 $0x1000, s5;
	s24 =	sadd.s32 s0, s6  }
0x10: {  	s4 =	sshrl.u32 s4, $0x3;
	s6 =	smax.u32 s25, $0x1;
	[dreg:$0x3] =	wrdreg s5  }
0x11: {  	v2 =	vlaneseq.u32;
	s25 =	simm.s32 $0x8000;
	[dreg:$0x4] =	wrdreg s24;
	s0 =	sadd.s32 s0, s4  }
0x12: {  	vm0 =	vmmov $0xffff;
	v1 =	vshrl.u32 v2, $0x3;
	s4 =	sadd.s32 $0x1500, s1;
	s5 =	sadd.s32 $0x1600, s1;
	s0 =	sadd.s32 $0x3000, s0  }
0x13: {  	v0 =	vand.u32 $0x7, v2;
	v2 =	vor.u32 $0x8, v2;
	v1 =	vmul.u32 $0x8, v1;
	s1 =	simm.s32 $0x3;
	s24 =	simm.s32 $0x7800;
	[dreg:$0x5] =	wrdreg s0  }
.LBB2_1:
0x14: {  	s9 =	rddreg [dreg:$0x3]  }
0x15: {  	s10 =	rddreg [dreg:$0x6]  }
0x16: {  	[tilespmem:s10], [sflag:$0x1] =	stream.linear.gather [hbm4b:s9+s2], $0x100, $0x38;
	[tilespmem:$0x18100] =	vst v63  }
0x17: {  	s11 =	rddreg [dreg:$0x4];
	s0 =	simm.s32 $0x1  }
0x18: {  	[tilespmem:s2], [sflag:$0x2] =	stream.linear.gather [hbm4b:s11+s2], $0x18000, $0x38;
	[tilespmem:$0x18100] =	vst v63  }
0x19: {  	_ =	swait.ge [sflag:s0], $0x100  }
0x1a: {  	[sflag:s0] =	ssyncset.done $0x0  }
0x1b: {  	[sflag:s0] =	ssyncadd.s32 $0xFFFFFF00;
	s0 =	simm.s32 $0x2  }
0x1c: {  	_ =	swait.ge [sflag:s0], $0x18000  }
0x1d: {  	[sflag:s0] =	ssyncset.done $0x0  }
0x1e: {  	[sflag:s0] =	ssyncadd.s32 $0xFFFE8000  }
0x1f: {  	v3 =	vld [tilespmem:$0x18000];
	_ =	sdelay $0x4  }
0x20: {  	v4 =	vshrl.u32 v3, $0x3  }
0x21: {  	v4 =	vmul.u32 $0x30, v4  }
0x22: {  	v3 =	vand.u32 $0x7, v3  }
0x23: {  	v3 =	vor.u32 v3, v4  }
0x24: {  	v4 =	vperm.xlane v3, v0;
	_ =	sdelay $0x1  }
0x25: {  	v4 =	vadd.s32 v1, v4;
	_ =	sdelay $0x3  }
0x26: {  	v3 =	vperm.xlane v3, v2  }
0x27: {  	[hbm4b:s3+s2] =	stream.indirect_vreg.scatter [tilespmem:s2], [sflag:$0x3], $0x80, v4, vm0, $0xb8;
	[tilespmem:$0x18100] =	vst v63  }
0x28: {  	s10 =	simm.s32 $0x800;
	v3 =	vadd.s32 v1, v3  }
0x29: {  	[hbm4b:s4+s2] =	stream.indirect_vreg.scatter [tilespmem:s10], [sflag:$0x3], $0x80, v4, vm0, $0xb8;
	[tilespmem:$0x18100] =	vst v63  }
0x2a: {  	s11 =	simm.s32 $0x1000  }
0x2b: {  	[hbm4b:s5+s2] =	stream.indirect_vreg.scatter [tilespmem:s11], [sflag:$0x3], $0x80, v4, vm0, $0xb8;
	[tilespmem:$0x18100] =	vst v63  }
0x2c: {  	_ = 	snop  }
0x2d: {  	[hbm4b:s3+s2] =	stream.indirect_vreg.scatter [tilespmem:s12], [sflag:$0x3], $0x80, v3, vm0, $0xb8;
	[tilespmem:$0x18100] =	vst v63  }
0x2e: {  	_ = 	snop  }
0x2f: {  	[hbm4b:s4+s2] =	stream.indirect_vreg.scatter [tilespmem:s13], [sflag:$0x3], $0x80, v3, vm0, $0xb8;
	[tilespmem:$0x18100] =	vst v63  }
0x30: {  	_ = 	snop  }
0x31: {  	[hbm4b:s5+s2] =	stream.indirect_vreg.scatter [tilespmem:s14], [sflag:$0x3], $0x80, v3, vm0, $0xb8;
	[tilespmem:$0x18100] =	vst v63  }
0x32: {  	v3 =	vld [tilespmem:$0x18010];
	_ =	sdelay $0x4  }
0x33: {  	v49 =	vshrl.u32 v3, $0x3  }
0x34: {  	v4 =	vmul.u32 $0x30, v49  }
0x35: {  	v3 =	vand.u32 $0x7, v3  }
0x36: {  	v3 =	vor.u32 v3, v4  }
0x37: {  	v4 =	vperm.xlane v3, v0;
	_ =	sdelay $0x1  }
0x38: {  	v4 =	vadd.s32 v1, v4;
	_ =	sdelay $0x3  }
0x39: {  	v3 =	vperm.xlane v3, v2  }
0x3a: {  	[hbm4b:s3+s2] =	stream.indirect_vreg.scatter [tilespmem:s15], [sflag:$0x3], $0x80, v4, vm0, $0xb8;
	[tilespmem:$0x18100] =	vst v63  }
0x3b: {  	v3 =	vadd.s32 v1, v3  }
0x3c: {  	[hbm4b:s4+s2] =	stream.indirect_vreg.scatter [tilespmem:s16], [sflag:$0x3], $0x80, v4, vm0, $0xb8;
	[tilespmem:$0x18100] =	vst v63  }
0x3d: {  	_ = 	snop  }
0x3e: {  	[hbm4b:s5+s2] =	stream.indirect_vreg.scatter [tilespmem:s17], [sflag:$0x3], $0x80, v4, vm0, $0xb8;
	[tilespmem:$0x18100] =	vst v63  }
0x3f: {  	_ = 	snop  }
0x40: {  	[hbm4b:s3+s2] =	stream.indirect_vreg.scatter [tilespmem:s18], [sflag:$0x3], $0x80, v3, vm0, $0xb8;
	[tilespmem:$0x18100] =	vst v63  }
0x41: {  	_ = 	snop  }
0x42: {  	[hbm4b:s4+s2] =	stream.indirect_vreg.scatter [tilespmem:s19], [sflag:$0x3], $0x80, v3, vm0, $0xb8;
	[tilespmem:$0x18100] =	vst v63  }
0x43: {  	_ = 	snop  }
0x44: {  	[hbm4b:s5+s2] =	stream.indirect_vreg.scatter [tilespmem:s20], [sflag:$0x3], $0x80, v3, vm0, $0xb8;
	[tilespmem:$0x18100] =	vst v63  }
0x45: {  	v3 =	vld [tilespmem:$0x18020];
	_ =	sdelay $0x4  }
0x46: {  	v50 =	vshrl.u32 v3, $0x3  }
0x47: {  	v4 =	vmul.u32 $0x30, v50  }
0x48: {  	v3 =	vand.u32 $0x7, v3  }
0x49: {  	v3 =	vor.u32 v3, v4  }
0x4a: {  	v4 =	vperm.xlane v3, v0;
	_ =	sdelay $0x1  }
0x4b: {  	v4 =	vadd.s32 v1, v4;
	_ =	sdelay $0x3  }
0x4c: {  	v3 =	vperm.xlane v3, v2  }
0x4d: {  	[hbm4b:s3+s2] =	stream.indirect_vreg.scatter [tilespmem:s21], [sflag:$0x3], $0x80, v4, vm0, $0xb8;
	[tilespmem:$0x18100] =	vst v63  }
0x4e: {  	v3 =	vadd.s32 v1, v3  }
0x4f: {  	[hbm4b:s4+s2] =	stream.indirect_vreg.scatter [tilespmem:s22], [sflag:$0x3], $0x80, v4, vm0, $0xb8;
	[tilespmem:$0x18100] =	vst v63  }
0x50: {  	_ = 	snop  }
0x51: {  	[hbm4b:s5+s2] =	stream.indirect_vreg.scatter [tilespmem:s23], [sflag:$0x3], $0x80, v4, vm0, $0xb8;
	[tilespmem:$0x18100] =	vst v63  }
0x52: {  	_ = 	snop  }
0x53: {  	[hbm4b:s3+s2] =	stream.indirect_vreg.scatter [tilespmem:s24], [sflag:$0x3], $0x80, v3, vm0, $0xb8;
	[tilespmem:$0x18100] =	vst v63  }
0x54: {  	_ = 	snop  }
0x55: {  	[hbm4b:s4+s2] =	stream.indirect_vreg.scatter [tilespmem:s25], [sflag:$0x3], $0x80, v3, vm0, $0xb8;
	[tilespmem:$0x18100] =	vst v63  }
0x56: {  	_ = 	snop  }
0x57: {  	[hbm4b:s5+s2] =	stream.indirect_vreg.scatter [tilespmem:s26], [sflag:$0x3], $0x80, v3, vm0, $0xb8;
	[tilespmem:$0x18100] =	vst v63  }
0x58: {  	v3 =	vld [tilespmem:$0x18030];
	_ =	sdelay $0x4  }
0x59: {  	v51 =	vshrl.u32 v3, $0x3  }
0x5a: {  	v4 =	vmul.u32 $0x30, v51  }
0x5b: {  	v3 =	vand.u32 $0x7, v3  }
0x5c: {  	v3 =	vor.u32 v3, v4  }
0x5d: {  	v4 =	vperm.xlane v3, v0;
	_ =	sdelay $0x1  }
0x5e: {  	v4 =	vadd.s32 v1, v4;
	_ =	sdelay $0x3  }
0x5f: {  	v3 =	vperm.xlane v3, v2  }
0x60: {  	[hbm4b:s3+s2] =	stream.indirect_vreg.scatter [tilespmem:s28], [sflag:$0x3], $0x80, v4, vm0, $0xb8;
	[tilespmem:$0x18100] =	vst v63  }
0x61: {  	v3 =	vadd.s32 v1, v3  }
0x62: {  	[hbm4b:s4+s2] =	stream.indirect_vreg.scatter [tilespmem:s29], [sflag:$0x3], $0x80, v4, vm0, $0xb8;
	[tilespmem:$0x18100] =	vst v63  }
0x63: {  	_ = 	snop  }
0x64: {  	[hbm4b:s5+s2] =	stream.indirect_vreg.scatter [tilespmem:s30], [sflag:$0x3], $0x80, v4, vm0, $0xb8;
	[tilespmem:$0x18100] =	vst v63  }
0x65: {  	_ = 	snop  }
0x66: {  	[hbm4b:s3+s2] =	stream.indirect_vreg.scatter [tilespmem:s31], [sflag:$0x3], $0x80, v3, vm0, $0xb8;
	[tilespmem:$0x18100] =	vst v63  }
0x67: {  	s7 =	simm.s32 $0xB000  }
0x68: {  	[hbm4b:s4+s2] =	stream.indirect_vreg.scatter [tilespmem:s7], [sflag:$0x3], $0x80, v3, vm0, $0xb8;
	[tilespmem:$0x18100] =	vst v63  }
0x69: {  	s7 =	simm.s32 $0xB800  }
0x6a: {  	[hbm4b:s5+s2] =	stream.indirect_vreg.scatter [tilespmem:s7], [sflag:$0x3], $0x80, v3, vm0, $0xb8;
	[tilespmem:$0x18100] =	vst v63  }
0x6b: {  	v3 =	vld [tilespmem:$0x18040];
	_ =	sdelay $0x4  }
0x6c: {  	v52 =	vshrl.u32 v3, $0x3  }
0x6d: {  	v4 =	vmul.u32 $0x30, v52  }
0x6e: {  	v3 =	vand.u32 $0x7, v3  }
0x6f: {  	v3 =	vor.u32 v3, v4  }
0x70: {  	v4 =	vperm.xlane v3, v0;
	_ =	sdelay $0x1  }
0x71: {  	v4 =	vadd.s32 v1, v4;
	_ =	sdelay $0x3  }
0x72: {  	v3 =	vperm.xlane v3, v2  }
0x73: {  	[hbm4b:s3+s2] =	stream.indirect_vreg.scatter [tilespmem:s8], [sflag:$0x3], $0x80, v4, vm0, $0xb8;
	[tilespmem:$0x18100] =	vst v63  }
0x74: {  	s9 =	simm.s32 $0xC800;
	v3 =	vadd.s32 v1, v3  }
0x75: {  	[hbm4b:s4+s2] =	stream.indirect_vreg.scatter [tilespmem:s9], [sflag:$0x3], $0x80, v4, vm0, $0xb8;
	[tilespmem:$0x18100] =	vst v63  }
0x76: {  	s9 =	simm.s32 $0xD000  }
0x77: {  	[hbm4b:s5+s2] =	stream.indirect_vreg.scatter [tilespmem:s9], [sflag:$0x3], $0x80, v4, vm0, $0xb8;
	[tilespmem:$0x18100] =	vst v63  }
0x78: {  	s9 =	simm.s32 $0xD800  }
0x79: {  	[hbm4b:s3+s2] =	stream.indirect_vreg.scatter [tilespmem:s9], [sflag:$0x3], $0x80, v3, vm0, $0xb8;
	[tilespmem:$0x18100] =	vst v63  }
0x7a: {  	s9 =	simm.s32 $0xE000  }
0x7b: {  	[hbm4b:s4+s2] =	stream.indirect_vreg.scatter [tilespmem:s9], [sflag:$0x3], $0x80, v3, vm0, $0xb8;
	[tilespmem:$0x18100] =	vst v63  }
0x7c: {  	s9 =	simm.s32 $0xE800  }
0x7d: {  	[hbm4b:s5+s2] =	stream.indirect_vreg.scatter [tilespmem:s9], [sflag:$0x3], $0x80, v3, vm0, $0xb8;
	[tilespmem:$0x18100] =	vst v63  }
0x7e: {  	v3 =	vld [tilespmem:$0x18050];
	_ =	sdelay $0x4  }
0x7f: {  	v53 =	vshrl.u32 v3, $0x3  }
0x80: {  	v4 =	vmul.u32 $0x30, v53  }
0x81: {  	v3 =	vand.u32 $0x7, v3  }
0x82: {  	v3 =	vor.u32 v3, v4  }
0x83: {  	v4 =	vperm.xlane v3, v0;
	_ =	sdelay $0x1  }
0x84: {  	v4 =	vadd.s32 v1, v4;
	_ =	sdelay $0x3  }
0x85: {  	s9 =	simm.s32 $0xF000;
	v3 =	vperm.xlane v3, v2  }
0x86: {  	[hbm4b:s3+s2] =	stream.indirect_vreg.scatter [tilespmem:s9], [sflag:$0x3], $0x80, v4, vm0, $0xb8;
	[tilespmem:$0x18100] =	vst v63  }
0x87: {  	v3 =	vadd.s32 v1, v3;
	s9 =	simm.s32 $0xF800  }
0x88: {  	[hbm4b:s4+s2] =	stream.indirect_vreg.scatter [tilespmem:s9], [sflag:$0x3], $0x80, v4, vm0, $0xb8;
	[tilespmem:$0x18100] =	vst v63  }
0x89: {  	s9 =	simm.s32 $0x10000  }
0x8a: {  	[hbm4b:s5+s2] =	stream.indirect_vreg.scatter [tilespmem:s9], [sflag:$0x3], $0x80, v4, vm0, $0xb8;
	[tilespmem:$0x18100] =	vst v63  }
0x8b: {  	s9 =	simm.s32 $0x10800  }
0x8c: {  	[hbm4b:s3+s2] =	stream.indirect_vreg.scatter [tilespmem:s9], [sflag:$0x3], $0x80, v3, vm0, $0xb8;
	[tilespmem:$0x18100] =	vst v63  }
0x8d: {  	s9 =	simm.s32 $0x11000  }
0x8e: {  	[hbm4b:s4+s2] =	stream.indirect_vreg.scatter [tilespmem:s9], [sflag:$0x3], $0x80, v3, vm0, $0xb8;
	[tilespmem:$0x18100] =	vst v63  }
0x8f: {  	s9 =	simm.s32 $0x11800  }
0x90: {  	[hbm4b:s5+s2] =	stream.indirect_vreg.scatter [tilespmem:s9], [sflag:$0x3], $0x80, v3, vm0, $0xb8;
	[tilespmem:$0x18100] =	vst v63  }
0x91: {  	v3 =	vld [tilespmem:$0x18060];
	_ =	sdelay $0x4  }
0x92: {  	v54 =	vshrl.u32 v3, $0x3  }
0x93: {  	v4 =	vmul.u32 $0x30, v54  }
0x94: {  	v3 =	vand.u32 $0x7, v3  }
0x95: {  	v3 =	vor.u32 v3, v4  }
0x96: {  	v4 =	vperm.xlane v3, v0;
	_ =	sdelay $0x1  }
0x97: {  	v4 =	vadd.s32 v1, v4;
	_ =	sdelay $0x3  }
0x98: {  	s9 =	simm.s32 $0x12000;
	v3 =	vperm.xlane v3, v2  }
0x99: {  	[hbm4b:s3+s2] =	stream.indirect_vreg.scatter [tilespmem:s9], [sflag:$0x3], $0x80, v4, vm0, $0xb8;
	[tilespmem:$0x18100] =	vst v63  }
0x9a: {  	v3 =	vadd.s32 v1, v3;
	s9 =	simm.s32 $0x12800  }
0x9b: {  	[hbm4b:s4+s2] =	stream.indirect_vreg.scatter [tilespmem:s9], [sflag:$0x3], $0x80, v4, vm0, $0xb8;
	[tilespmem:$0x18100] =	vst v63  }
0x9c: {  	s9 =	simm.s32 $0x13000  }
0x9d: {  	[hbm4b:s5+s2] =	stream.indirect_vreg.scatter [tilespmem:s9], [sflag:$0x3], $0x80, v4, vm0, $0xb8;
	[tilespmem:$0x18100] =	vst v63  }
0x9e: {  	s9 =	simm.s32 $0x13800  }
0x9f: {  	[hbm4b:s3+s2] =	stream.indirect_vreg.scatter [tilespmem:s9], [sflag:$0x3], $0x80, v3, vm0, $0xb8;
	[tilespmem:$0x18100] =	vst v63  }
0xa0: {  	s9 =	simm.s32 $0x14000  }
0xa1: {  	[hbm4b:s4+s2] =	stream.indirect_vreg.scatter [tilespmem:s9], [sflag:$0x3], $0x80, v3, vm0, $0xb8;
	[tilespmem:$0x18100] =	vst v63  }
0xa2: {  	s9 =	simm.s32 $0x14800  }
0xa3: {  	[hbm4b:s5+s2] =	stream.indirect_vreg.scatter [tilespmem:s9], [sflag:$0x3], $0x80, v3, vm0, $0xb8;
	[tilespmem:$0x18100] =	vst v63  }
0xa4: {  	v3 =	vld [tilespmem:$0x18070];
	_ =	sdelay $0x4  }
0xa5: {  	v55 =	vshrl.u32 v3, $0x3  }
0xa6: {  	v4 =	vmul.u32 $0x30, v55  }
0xa7: {  	v3 =	vand.u32 $0x7, v3  }
0xa8: {  	v3 =	vor.u32 v3, v4  }
0xa9: {  	v4 =	vperm.xlane v3, v0;
	_ =	sdelay $0x1  }
0xaa: {  	v4 =	vadd.s32 v1, v4;
	_ =	sdelay $0x3  }
0xab: {  	s9 =	simm.s32 $0x15000;
	v3 =	vperm.xlane v3, v2  }
0xac: {  	[hbm4b:s3+s2] =	stream.indirect_vreg.scatter [tilespmem:s9], [sflag:$0x3], $0x80, v4, vm0, $0xb8;
	[tilespmem:$0x18100] =	vst v63  }
0xad: {  	v3 =	vadd.s32 v1, v3;
	s9 =	simm.s32 $0x15800  }
0xae: {  	[hbm4b:s4+s2] =	stream.indirect_vreg.scatter [tilespmem:s9], [sflag:$0x3], $0x80, v4, vm0, $0xb8;
	[tilespmem:$0x18100] =	vst v63  }
0xaf: {  	s9 =	simm.s32 $0x16000  }
0xb0: {  	[hbm4b:s5+s2] =	stream.indirect_vreg.scatter [tilespmem:s9], [sflag:$0x3], $0x80, v4, vm0, $0xb8;
	[tilespmem:$0x18100] =	vst v63  }
0xb1: {  	s9 =	simm.s32 $0x16800  }
0xb2: {  	[hbm4b:s3+s2] =	stream.indirect_vreg.scatter [tilespmem:s9], [sflag:$0x3], $0x80, v3, vm0, $0xb8;
	[tilespmem:$0x18100] =	vst v63  }
0xb3: {  	s9 =	simm.s32 $0x17000  }
0xb4: {  	[hbm4b:s4+s2] =	stream.indirect_vreg.scatter [tilespmem:s9], [sflag:$0x3], $0x80, v3, vm0, $0xb8;
	[tilespmem:$0x18100] =	vst v63  }
0xb5: {  	s9 =	simm.s32 $0x17800  }
0xb6: {  	[hbm4b:s5+s2] =	stream.indirect_vreg.scatter [tilespmem:s9], [sflag:$0x3], $0x80, v3, vm0, $0xb8;
	[tilespmem:$0x18100] =	vst v63  }
0xb7: {  	_ =	swait.ge [sflag:s1], $0x18000  }
0xb8: {  	[sflag:s1] =	ssyncset.done $0x0  }
0xb9: {  	s9 =	rddreg [dreg:$0x5];
	[sflag:s1] =	ssyncadd.s32 $0xFFFE8000  }
0xba: {  	[tilespmem:s2], [sflag:$0x2] =	stream.linear.gather [hbm4b:s9+s2], $0x18000, $0x38;
	[tilespmem:$0x18100] =	vst v63  }
0xbb: {  	_ =	swait.ge [sflag:s0], $0x18000  }
0xbc: {  	[sflag:s0] =	ssyncset.done $0x0  }
0xbd: {  	[sflag:s0] =	ssyncadd.s32 $0xFFFE8000  }
0xbe: {  	v3 =	vld [tilespmem:$0x18080];
	_ =	sdelay $0x4  }
0xbf: {  	v56 =	vshrl.u32 v3, $0x3  }
0xc0: {  	v4 =	vmul.u32 $0x30, v56  }
0xc1: {  	v3 =	vand.u32 $0x7, v3  }
0xc2: {  	v3 =	vor.u32 v3, v4  }
0xc3: {  	v4 =	vperm.xlane v3, v0;
	_ =	sdelay $0x1  }
0xc4: {  	v4 =	vadd.s32 v1, v4;
	_ =	sdelay $0x3  }
0xc5: {  	v3 =	vperm.xlane v3, v2  }
0xc6: {  	[hbm4b:s3+s2] =	stream.indirect_vreg.scatter [tilespmem:s2], [sflag:$0x3], $0x80, v4, vm0, $0xb8;
	[tilespmem:$0x18100] =	vst v63  }
0xc7: {  	v3 =	vadd.s32 v1, v3  }
0xc8: {  	[hbm4b:s4+s2] =	stream.indirect_vreg.scatter [tilespmem:s10], [sflag:$0x3], $0x80, v4, vm0, $0xb8;
	[tilespmem:$0x18100] =	vst v63  }
0xc9: {  	_ = 	snop  }
0xca: {  	[hbm4b:s5+s2] =	stream.indirect_vreg.scatter [tilespmem:s11], [sflag:$0x3], $0x80, v4, vm0, $0xb8;
	[tilespmem:$0x18100] =	vst v63  }
0xcb: {  	_ = 	snop  }
0xcc: {  	[hbm4b:s3+s2] =	stream.indirect_vreg.scatter [tilespmem:s12], [sflag:$0x3], $0x80, v3, vm0, $0xb8;
	[tilespmem:$0x18100] =	vst v63  }
0xcd: {  	_ = 	snop  }
0xce: {  	[hbm4b:s4+s2] =	stream.indirect_vreg.scatter [tilespmem:s13], [sflag:$0x3], $0x80, v3, vm0, $0xb8;
	[tilespmem:$0x18100] =	vst v63  }
0xcf: {  	_ = 	snop  }
0xd0: {  	[hbm4b:s5+s2] =	stream.indirect_vreg.scatter [tilespmem:s14], [sflag:$0x3], $0x80, v3, vm0, $0xb8;
	[tilespmem:$0x18100] =	vst v63  }
0xd1: {  	v3 =	vld [tilespmem:$0x18090];
	_ =	sdelay $0x4  }
0xd2: {  	v57 =	vshrl.u32 v3, $0x3  }
0xd3: {  	v4 =	vmul.u32 $0x30, v57  }
0xd4: {  	v3 =	vand.u32 $0x7, v3  }
0xd5: {  	v3 =	vor.u32 v3, v4  }
0xd6: {  	v4 =	vperm.xlane v3, v0;
	_ =	sdelay $0x1  }
0xd7: {  	v4 =	vadd.s32 v1, v4;
	_ =	sdelay $0x3  }
0xd8: {  	v3 =	vperm.xlane v3, v2  }
0xd9: {  	[hbm4b:s3+s2] =	stream.indirect_vreg.scatter [tilespmem:s15], [sflag:$0x3], $0x80, v4, vm0, $0xb8;
	[tilespmem:$0x18100] =	vst v63  }
0xda: {  	v3 =	vadd.s32 v1, v3  }
0xdb: {  	[hbm4b:s4+s2] =	stream.indirect_vreg.scatter [tilespmem:s16], [sflag:$0x3], $0x80, v4, vm0, $0xb8;
	[tilespmem:$0x18100] =	vst v63  }
0xdc: {  	_ = 	snop  }
0xdd: {  	[hbm4b:s5+s2] =	stream.indirect_vreg.scatter [tilespmem:s17], [sflag:$0x3], $0x80, v4, vm0, $0xb8;
	[tilespmem:$0x18100] =	vst v63  }
0xde: {  	_ = 	snop  }
0xdf: {  	[hbm4b:s3+s2] =	stream.indirect_vreg.scatter [tilespmem:s18], [sflag:$0x3], $0x80, v3, vm0, $0xb8;
	[tilespmem:$0x18100] =	vst v63  }
0xe0: {  	_ = 	snop  }
0xe1: {  	[hbm4b:s4+s2] =	stream.indirect_vreg.scatter [tilespmem:s19], [sflag:$0x3], $0x80, v3, vm0, $0xb8;
	[tilespmem:$0x18100] =	vst v63  }
0xe2: {  	_ = 	snop  }
0xe3: {  	[hbm4b:s5+s2] =	stream.indirect_vreg.scatter [tilespmem:s20], [sflag:$0x3], $0x80, v3, vm0, $0xb8;
	[tilespmem:$0x18100] =	vst v63  }
0xe4: {  	v3 =	vld [tilespmem:$0x180A0];
	_ =	sdelay $0x4  }
0xe5: {  	v58 =	vshrl.u32 v3, $0x3  }
0xe6: {  	v4 =	vmul.u32 $0x30, v58  }
0xe7: {  	v3 =	vand.u32 $0x7, v3  }
0xe8: {  	v3 =	vor.u32 v3, v4  }
0xe9: {  	v4 =	vperm.xlane v3, v0;
	_ =	sdelay $0x1  }
0xea: {  	v4 =	vadd.s32 v1, v4;
	_ =	sdelay $0x3  }
0xeb: {  	v3 =	vperm.xlane v3, v2  }
0xec: {  	[hbm4b:s3+s2] =	stream.indirect_vreg.scatter [tilespmem:s21], [sflag:$0x3], $0x80, v4, vm0, $0xb8;
	[tilespmem:$0x18100] =	vst v63  }
0xed: {  	v3 =	vadd.s32 v1, v3  }
0xee: {  	[hbm4b:s4+s2] =	stream.indirect_vreg.scatter [tilespmem:s22], [sflag:$0x3], $0x80, v4, vm0, $0xb8;
	[tilespmem:$0x18100] =	vst v63  }
0xef: {  	_ = 	snop  }
0xf0: {  	[hbm4b:s5+s2] =	stream.indirect_vreg.scatter [tilespmem:s23], [sflag:$0x3], $0x80, v4, vm0, $0xb8;
	[tilespmem:$0x18100] =	vst v63  }
0xf1: {  	_ = 	snop  }
0xf2: {  	[hbm4b:s3+s2] =	stream.indirect_vreg.scatter [tilespmem:s24], [sflag:$0x3], $0x80, v3, vm0, $0xb8;
	[tilespmem:$0x18100] =	vst v63  }
0xf3: {  	_ = 	snop  }
0xf4: {  	[hbm4b:s4+s2] =	stream.indirect_vreg.scatter [tilespmem:s25], [sflag:$0x3], $0x80, v3, vm0, $0xb8;
	[tilespmem:$0x18100] =	vst v63  }
0xf5: {  	_ = 	snop  }
0xf6: {  	[hbm4b:s5+s2] =	stream.indirect_vreg.scatter [tilespmem:s26], [sflag:$0x3], $0x80, v3, vm0, $0xb8;
	[tilespmem:$0x18100] =	vst v63  }
0xf7: {  	v3 =	vld [tilespmem:$0x180B0];
	_ =	sdelay $0x4  }
0xf8: {  	v59 =	vshrl.u32 v3, $0x3  }
0xf9: {  	v4 =	vmul.u32 $0x30, v59  }
0xfa: {  	v3 =	vand.u32 $0x7, v3  }
0xfb: {  	v3 =	vor.u32 v3, v4  }
0xfc: {  	v4 =	vperm.xlane v3, v0;
	_ =	sdelay $0x1  }
0xfd: {  	v4 =	vadd.s32 v1, v4;
	_ =	sdelay $0x3  }
0xfe: {  	v3 =	vperm.xlane v3, v2  }
0xff: {  	[hbm4b:s3+s2] =	stream.indirect_vreg.scatter [tilespmem:s28], [sflag:$0x3], $0x80, v4, vm0, $0xb8;
	[tilespmem:$0x18100] =	vst v63  }
0x100: {  	v3 =	vadd.s32 v1, v3  }
0x101: {  	[hbm4b:s4+s2] =	stream.indirect_vreg.scatter [tilespmem:s29], [sflag:$0x3], $0x80, v4, vm0, $0xb8;
	[tilespmem:$0x18100] =	vst v63  }
0x102: {  	_ = 	snop  }
0x103: {  	[hbm4b:s5+s2] =	stream.indirect_vreg.scatter [tilespmem:s30], [sflag:$0x3], $0x80, v4, vm0, $0xb8;
	[tilespmem:$0x18100] =	vst v63  }
0x104: {  	_ = 	snop  }
0x105: {  	[hbm4b:s3+s2] =	stream.indirect_vreg.scatter [tilespmem:s31], [sflag:$0x3], $0x80, v3, vm0, $0xb8;
	[tilespmem:$0x18100] =	vst v63  }
0x106: {  	s11 =	simm.s32 $0xB000  }
0x107: {  	[hbm4b:s4+s2] =	stream.indirect_vreg.scatter [tilespmem:s11], [sflag:$0x3], $0x80, v3, vm0, $0xb8;
	[tilespmem:$0x18100] =	vst v63  }
0x108: {  	_ = 	snop  }
0x109: {  	[hbm4b:s5+s2] =	stream.indirect_vreg.scatter [tilespmem:s7], [sflag:$0x3], $0x80, v3, vm0, $0xb8;
	[tilespmem:$0x18100] =	vst v63  }
0x10a: {  	v3 =	vld [tilespmem:$0x180C0];
	_ =	sdelay $0x4  }
0x10b: {  	v60 =	vshrl.u32 v3, $0x3  }
0x10c: {  	v4 =	vmul.u32 $0x30, v60  }
0x10d: {  	v3 =	vand.u32 $0x7, v3  }
0x10e: {  	v3 =	vor.u32 v3, v4  }
0x10f: {  	v4 =	vperm.xlane v3, v0;
	_ =	sdelay $0x1  }
0x110: {  	v4 =	vadd.s32 v1, v4;
	_ =	sdelay $0x3  }
0x111: {  	v3 =	vperm.xlane v3, v2  }
0x112: {  	[hbm4b:s3+s2] =	stream.indirect_vreg.scatter [tilespmem:s8], [sflag:$0x3], $0x80, v4, vm0, $0xb8;
	[tilespmem:$0x18100] =	vst v63  }
0x113: {  	s9 =	simm.s32 $0xC800;
	v3 =	vadd.s32 v1, v3  }
0x114: {  	[hbm4b:s4+s2] =	stream.indirect_vreg.scatter [tilespmem:s9], [sflag:$0x3], $0x80, v4, vm0, $0xb8;
	[tilespmem:$0x18100] =	vst v63  }
0x115: {  	s10 =	simm.s32 $0xD000  }
0x116: {  	[hbm4b:s5+s2] =	stream.indirect_vreg.scatter [tilespmem:s10], [sflag:$0x3], $0x80, v4, vm0, $0xb8;
	[tilespmem:$0x18100] =	vst v63  }
0x117: {  	s11 =	simm.s32 $0xD800  }
0x118: {  	[hbm4b:s3+s2] =	stream.indirect_vreg.scatter [tilespmem:s11], [sflag:$0x3], $0x80, v3, vm0, $0xb8;
	[tilespmem:$0x18100] =	vst v63  }
0x119: {  	s7 =	simm.s32 $0xE000  }
0x11a: {  	[hbm4b:s4+s2] =	stream.indirect_vreg.scatter [tilespmem:s7], [sflag:$0x3], $0x80, v3, vm0, $0xb8;
	[tilespmem:$0x18100] =	vst v63  }
0x11b: {  	s9 =	simm.s32 $0xE800  }
0x11c: {  	[hbm4b:s5+s2] =	stream.indirect_vreg.scatter [tilespmem:s9], [sflag:$0x3], $0x80, v3, vm0, $0xb8;
	[tilespmem:$0x18100] =	vst v63  }
0x11d: {  	v3 =	vld [tilespmem:$0x180D0];
	_ =	sdelay $0x4  }
0x11e: {  	v61 =	vshrl.u32 v3, $0x3  }
0x11f: {  	v4 =	vmul.u32 $0x30, v61  }
0x120: {  	v3 =	vand.u32 $0x7, v3  }
0x121: {  	v3 =	vor.u32 v3, v4  }
0x122: {  	v4 =	vperm.xlane v3, v0;
	_ =	sdelay $0x1  }
0x123: {  	v4 =	vadd.s32 v1, v4;
	_ =	sdelay $0x3  }
0x124: {  	s10 =	simm.s32 $0xF000;
	v3 =	vperm.xlane v3, v2  }
0x125: {  	[hbm4b:s3+s2] =	stream.indirect_vreg.scatter [tilespmem:s10], [sflag:$0x3], $0x80, v4, vm0, $0xb8;
	[tilespmem:$0x18100] =	vst v63  }
0x126: {  	s11 =	simm.s32 $0xF800;
	v3 =	vadd.s32 v1, v3  }
0x127: {  	[hbm4b:s4+s2] =	stream.indirect_vreg.scatter [tilespmem:s11], [sflag:$0x3], $0x80, v4, vm0, $0xb8;
	[tilespmem:$0x18100] =	vst v63  }
0x128: {  	s7 =	simm.s32 $0x10000  }
0x129: {  	[hbm4b:s5+s2] =	stream.indirect_vreg.scatter [tilespmem:s7], [sflag:$0x3], $0x80, v4, vm0, $0xb8;
	[tilespmem:$0x18100] =	vst v63  }
0x12a: {  	s9 =	simm.s32 $0x10800  }
0x12b: {  	[hbm4b:s3+s2] =	stream.indirect_vreg.scatter [tilespmem:s9], [sflag:$0x3], $0x80, v3, vm0, $0xb8;
	[tilespmem:$0x18100] =	vst v63  }
0x12c: {  	s10 =	simm.s32 $0x11000  }
0x12d: {  	[hbm4b:s4+s2] =	stream.indirect_vreg.scatter [tilespmem:s10], [sflag:$0x3], $0x80, v3, vm0, $0xb8;
	[tilespmem:$0x18100] =	vst v63  }
0x12e: {  	s11 =	simm.s32 $0x11800  }
0x12f: {  	[hbm4b:s5+s2] =	stream.indirect_vreg.scatter [tilespmem:s11], [sflag:$0x3], $0x80, v3, vm0, $0xb8;
	[tilespmem:$0x18100] =	vst v63  }
0x130: {  	v3 =	vld [tilespmem:$0x180E0];
	_ =	sdelay $0x4  }
0x131: {  	v62 =	vshrl.u32 v3, $0x3  }
0x132: {  	v4 =	vmul.u32 $0x30, v62  }
0x133: {  	v3 =	vand.u32 $0x7, v3  }
0x134: {  	v3 =	vor.u32 v3, v4  }
0x135: {  	v4 =	vperm.xlane v3, v0;
	_ =	sdelay $0x1  }
0x136: {  	v4 =	vadd.s32 v1, v4;
	_ =	sdelay $0x3  }
0x137: {  	s7 =	simm.s32 $0x12000;
	v3 =	vperm.xlane v3, v2  }
0x138: {  	[hbm4b:s3+s2] =	stream.indirect_vreg.scatter [tilespmem:s7], [sflag:$0x3], $0x80, v4, vm0, $0xb8;
	[tilespmem:$0x18100] =	vst v63  }
0x139: {  	s9 =	simm.s32 $0x12800;
	v3 =	vadd.s32 v1, v3  }
0x13a: {  	[hbm4b:s4+s2] =	stream.indirect_vreg.scatter [tilespmem:s9], [sflag:$0x3], $0x80, v4, vm0, $0xb8;
	[tilespmem:$0x18100] =	vst v63  }
0x13b: {  	s10 =	simm.s32 $0x13000  }
0x13c: {  	[hbm4b:s5+s2] =	stream.indirect_vreg.scatter [tilespmem:s10], [sflag:$0x3], $0x80, v4, vm0, $0xb8;
	[tilespmem:$0x18100] =	vst v63  }
0x13d: {  	s11 =	simm.s32 $0x13800  }
0x13e: {  	[hbm4b:s3+s2] =	stream.indirect_vreg.scatter [tilespmem:s11], [sflag:$0x3], $0x80, v3, vm0, $0xb8;
	[tilespmem:$0x18100] =	vst v63  }
0x13f: {  	s7 =	simm.s32 $0x14000  }
0x140: {  	[hbm4b:s4+s2] =	stream.indirect_vreg.scatter [tilespmem:s7], [sflag:$0x3], $0x80, v3, vm0, $0xb8;
	[tilespmem:$0x18100] =	vst v63  }
0x141: {  	s9 =	simm.s32 $0x14800  }
0x142: {  	[hbm4b:s5+s2] =	stream.indirect_vreg.scatter [tilespmem:s9], [sflag:$0x3], $0x80, v3, vm0, $0xb8;
	[tilespmem:$0x18100] =	vst v63  }
0x143: {  	v3 =	vld [tilespmem:$0x180F0];
	_ =	sdelay $0x4  }
0x144: {  	v63 =	vshrl.u32 v3, $0x3  }
0x145: {  	v4 =	vmul.u32 $0x30, v63  }
0x146: {  	v3 =	vand.u32 $0x7, v3  }
0x147: {  	v3 =	vor.u32 v3, v4  }
0x148: {  	v4 =	vperm.xlane v3, v0;
	_ =	sdelay $0x1  }
0x149: {  	v4 =	vadd.s32 v1, v4;
	_ =	sdelay $0x3  }
0x14a: {  	s10 =	simm.s32 $0x15000;
	v3 =	vperm.xlane v3, v2  }
0x14b: {  	[hbm4b:s3+s2] =	stream.indirect_vreg.scatter [tilespmem:s10], [sflag:$0x3], $0x80, v4, vm0, $0xb8;
	[tilespmem:$0x18100] =	vst v63  }
0x14c: {  	s11 =	simm.s32 $0x15800;
	v3 =	vadd.s32 v1, v3  }
0x14d: {  	[hbm4b:s4+s2] =	stream.indirect_vreg.scatter [tilespmem:s11], [sflag:$0x3], $0x80, v4, vm0, $0xb8;
	[tilespmem:$0x18100] =	vst v63  }
0x14e: {  	s7 =	simm.s32 $0x16000  }
0x14f: {  	[hbm4b:s5+s2] =	stream.indirect_vreg.scatter [tilespmem:s7], [sflag:$0x3], $0x80, v4, vm0, $0xb8;
	[tilespmem:$0x18100] =	vst v63  }
0x150: {  	s9 =	simm.s32 $0x16800  }
0x151: {  	[hbm4b:s3+s2] =	stream.indirect_vreg.scatter [tilespmem:s9], [sflag:$0x3], $0x80, v3, vm0, $0xb8;
	[tilespmem:$0x18100] =	vst v63  }
0x152: {  	p0 =	sne.s32 s6, $0x1;
	s10 =	simm.s32 $0x17000  }
0x153: {  	[hbm4b:s4+s2] =	stream.indirect_vreg.scatter [tilespmem:s10], [sflag:$0x3], $0x80, v3, vm0, $0xb8;
	[tilespmem:$0x18100] =	vst v63  }
.Ltmp0:
0x154: {  	s11 =	simm.s32 $0x17800;
	(pc) =	sbr.rel @p0 .LBB2_1-.Ltmp0, $4  }
0x155: {  	[hbm4b:s5+s2] =	stream.indirect_vreg.scatter [tilespmem:s11], [sflag:$0x3], $0x80, v3, vm0, $0xb8;
	[tilespmem:$0x18100] =	vst v63  }
0x156: {  	_ =	swait.ge [sflag:s1], $0x18000  }
0x157: {  	[sflag:s1] =	ssyncset.done $0x0  }
0x158: {  	s6 =	sadd.s32 $0xFFFFFFFF, s6;
	[sflag:s1] =	ssyncadd.s32 $0xFFFE8000  }
0x159: {  	_ =	sfence.sel $0x180000  }
0x15a: {  	[bflag:$0x0] =	sbarrier.arrive $0xFFFF  }
0x15b: {  	_ =	strace $0x90000047  }
0x15c: {  	s0 =	stileid.u32;
	[bflag:$0x2] =	sbarrier.arrive $0xFFFF  }
0x15d: {  	p0 =	sne.s32 s0, $0x0;
	s0 =	rddreg [dreg:$0x2]  }
0x15e: {  	s0 =	sadd.s32 @!p0 $0x100000, s0  }
0x15f: {  	[sflag:s0] =	ssyncadd.tile.s32 @!p0 $0x1;
	_ =	shalt  }
.Lfunc_end2:
_tile_overlayer_lowered:
.L_overlay_start_2:
0x160: {  	(tag) =	ssettag $0x2  }
0x161: {  	s0 =	rddreg [dreg:$0x0];
	s2 =	stileid.u32  }
0x162: {  	s1 =	rddreg [dreg:$0x1];
	p0 =	sne.s32 s2, $0x0  }
0x163: {  	s3 =	rddreg [dreg:$0x2];
	[bflag:$0x3] =	sbarrier.arrive $0xFFFF;
	s2 =	simm.s32 @!p0 $0x1C03  }
0x164: {  	[timem:s3], [sflag:s2] =	dma.local @!p0 [hbm:s0], s1  }
0x165: {  	s0 =	simm.s32 @!p0 $0x3  }
0x166: {  	_ =	swait.ge @!p0 [sflag:s0], s1  }
0x167: {  	s1 =	ssub.s32 @!p0 $0x0, s1;
	[sflag:s0] =	ssyncset.done @!p0 $0x0  }
0x168: {  	[sflag:s0] =	ssyncadd.s32 @!p0 s1  }
0x169: {  	[bflag:$0x3] =	sbarrier.arrive $0xFFFF  }
0x16a: {  	_ =	shalt  }

// kernel: kernel.9.cloned.1.call-start
scs
__scs_entry_jumppad:
0x0: {  	(pc) =	sbr.rel $0x88, $3  }
0x1: {  	(tag) =	ssettag $0x0;
	lr =	simm.s32 $0x1  }
0x2: {  	[smem:$0x3F9A] =	sst lr;
	_ =	strace $0xD0000000  }
0x3: {  	_ = 	snop  }
0x4: {  	_ = 	snop  }
0x5: {  	_ = 	snop  }
0x6: {  	_ = 	snop  }
0x7: {  	_ = 	snop  }
__scs_overlays_trampoline_lowered:
0x8: {  	[smem:$0x3FA9] =	sst s0  }
0x9: {  	[smem:$0x3FAA] =	sst s1  }
0xa: {  	[smem:$0x3FAB] =	sst s2  }
0xb: {  	[smem:$0x3FAC] =	sst s3  }
0xc: {  	[smem:$0x3FAD] =	sst s4  }
0xd: {  	[smem:$0x3FAE] =	sst s5  }
0xe: {  	[smem:$0x3FAF] =	sst s6  }
0xf: {  	[smem:$0x3FB0] =	sst s7  }
0x10: {  	[smem:$0x3FB1] =	sst s8  }
0x11: {  	[smem:$0x3FB2] =	sst s9;
	s0 =	simm.s32 @!p0 $0x0  }
0x12: {  	s1 =	sld [smem:$0x3F98];
	s0 =	simm.s32 @p0 $0x1  }
0x13: {  	[smem:$0x3FB3] =	sst s0;
	s0 =	simm.s32 @!p1 $0x0  }
0x14: {  	s2 =	sld [smem:$0x3F97];
	s0 =	simm.s32 @p1 $0x1  }
0x15: {  	[smem:$0x3FB4] =	sst s0;
	s0 =	simm.s32 @!p2 $0x0  }
0x16: {  	s3 =	sld [smem:$0x3FDB];
	s0 =	simm.s32 @p2 $0x1  }
0x17: {  	s4 =	simm.s32 $0x1BF5;
	[smem:$0x3FB6] =	sst s0  }
0x18: {  	s0 =	sld [smem:$0x3F99];
	_ =	swait.ge [sflag:s4], $0x0  }
0x19: {  	s7 =	sld [smem:$0x3F9A]  }
0x1a: {  	s8 =	sadd.s32 $0xFFFFE003, lr  }
0x1b: {  	s9 =	sadd.s32 $0xFFFFFEF7, lr;
	s5 =	simm.s32 $0xFFFFFFFF;
	p2 =	slt.u32 s8, $0xFFFFF086  }
0x1c: {  	p1 =	slt.u32 s9, $0xF7A;
	s5 =	simm.s32 @!p2 $0x0  }
0x1d: {  	s5 =	simm.s32 @p1 $0x1;
	p0 =	seq.s32 s7, s2  }
0x1e: {  	s7 =	smul.u32 @!p0 $0xF7A, s2;
	p2 =	seq.s32 @!p0 s5, $0x0  }
0x1f: {  	s9 =	smul.u32 $0xF7A, s1;
	s8 =	simm.s32 @!p0 $0x1BF5;
	p2 =	por !p2, p0  }
0x20: {  	[sflag:s8] =	ssyncset.s32 @!p0 $0xFFFFF086;
	s6 =	sadd.s32 @!p0 s3, s7;
	s7 =	simm.s32 @!p0 $0x108  }
0x21: {  	s3 =	sadd.s32 s3, s9;
	s6 =	sadd.s32 @!p0 $0x88, s6;
	s7 =	simm.s32 @p2 $0x1082  }
0x22: {  	[simem:s7], [sflag:s8] =	dma.local @!p0 [hbm:s6], $0xF7A  }
0x23: {  	s9 =	sor.u32 $0xD0000000, s2;
	s6 =	simm.s32 $0x108;
	_ =	swait.ge @!p0 [sflag:s8], $0x0  }
0x24: {  	s3 =	sadd.s32 $0x88, s3;
	s6 =	simm.s32 @!p1 $0x1082;
	[sflag:s4] =	ssyncset.s32 $0xFFFFF086  }
0x25: {  	[simem:s6], [sflag:s4] =	dma.local [hbm:s3], $0xF7A  }
0x26: {  	[smem:$0x3F9A] =	sst s1;
	(tag) =	ssettag s2;
	_ =	strace s9  }
0x27: {  	s1 =	sld [smem:$0x3FAA]  }
0x28: {  	s2 =	sld [smem:$0x3FAB]  }
0x29: {  	s4 =	sld [smem:$0x3FAD]  }
0x2a: {  	p0 =	seq.s32 s5, $0x0;
	s5 =	sld [smem:$0x3FAE]  }
0x2b: {  	s6 =	sld [smem:$0x3FAF]  }
0x2c: {  	s7 =	sld [smem:$0x3FB0]  }
0x2d: {  	s3 =	simm.s32 $0x108;
	s8 =	sld [smem:$0x3FB1]  }
0x2e: {  	s3 =	simm.s32 @!p0 $0x1082;
	s9 =	sld [smem:$0x3FB2]  }
0x2f: {  	lr =	sadd.s32 s0, s3;
	s0 =	sld [smem:$0x3FA9]  }
0x30: {  	s3 =	sld [smem:$0x3FAC]  }
0x31: {  	[smem:$0x3FB5] =	sst s10  }
0x32: {  	s10 =	sld [smem:$0x3FB3];
	_ =	sdelay $0x3  }
0x33: {  	p0 =	seq.s32 s10, $0x1;
	s10 =	sld [smem:$0x3FB5];
	_ =	sdelay $0x3  }
0x34: {  	[smem:$0x3FB5] =	sst s10  }
0x35: {  	s10 =	sld [smem:$0x3FB4];
	_ =	sdelay $0x3  }
0x36: {  	p1 =	seq.s32 s10, $0x1;
	s10 =	sld [smem:$0x3FB5];
	_ =	sdelay $0x3  }
0x37: {  	[smem:$0x3FB5] =	sst s10  }
0x38: {  	s10 =	sld [smem:$0x3FB6]  }
0x39: {  	_ = 	snop;
	(pc) =	sbr.ind lr, $3  }
0x3a: {  	_ = 	snop  }
0x3b: {  	_ = 	snop  }
0x3c: {  	p2 =	seq.s32 s10, $0x1;
	s10 =	sld [smem:$0x3FB5]  }
0x3d: {  	_ =	shalt  }
0x3e: {  	_ =	shalt  }
0x3f: {  	_ =	shalt  }
0x40: {  	_ =	shalt  }
0x41: {  	_ =	shalt  }
0x42: {  	_ =	shalt  }
0x43: {  	_ =	shalt  }
0x44: {  	_ =	shalt  }
0x45: {  	_ =	shalt  }
0x46: {  	_ =	shalt  }
0x47: {  	_ =	shalt  }
0x48: {  	_ =	shalt  }
0x49: {  	_ =	shalt  }
0x4a: {  	_ =	shalt  }
0x4b: {  	_ =	shalt  }
0x4c: {  	_ =	shalt  }
0x4d: {  	_ =	shalt  }
0x4e: {  	_ =	shalt  }
0x4f: {  	_ =	shalt  }
0x50: {  	_ =	shalt  }
0x51: {  	_ =	shalt  }
0x52: {  	_ =	shalt  }
0x53: {  	_ =	shalt  }
0x54: {  	_ =	shalt  }
0x55: {  	_ =	shalt  }
0x56: {  	_ =	shalt  }
0x57: {  	_ =	shalt  }
0x58: {  	_ =	shalt  }
0x59: {  	_ =	shalt  }
0x5a: {  	_ =	shalt  }
0x5b: {  	_ =	shalt  }
0x5c: {  	_ =	shalt  }
0x5d: {  	_ =	shalt  }
0x5e: {  	_ =	shalt  }
0x5f: {  	_ =	shalt  }
0x60: {  	_ =	shalt  }
0x61: {  	_ =	shalt  }
0x62: {  	_ =	shalt  }
0x63: {  	_ =	shalt  }
0x64: {  	_ =	shalt  }
0x65: {  	_ =	shalt  }
0x66: {  	_ =	shalt  }
0x67: {  	_ =	shalt  }
0x68: {  	_ =	shalt  }
0x69: {  	_ =	shalt  }
0x6a: {  	_ =	shalt  }
0x6b: {  	_ =	shalt  }
0x6c: {  	_ =	shalt  }
0x6d: {  	_ =	shalt  }
0x6e: {  	_ =	shalt  }
0x6f: {  	_ =	shalt  }
0x70: {  	_ =	shalt  }
0x71: {  	_ =	shalt  }
0x72: {  	_ =	shalt  }
0x73: {  	_ =	shalt  }
0x74: {  	_ =	shalt  }
0x75: {  	_ =	shalt  }
0x76: {  	_ =	shalt  }
0x77: {  	_ =	shalt  }
0x78: {  	_ =	shalt  }
0x79: {  	_ =	shalt  }
0x7a: {  	_ =	shalt  }
0x7b: {  	_ =	shalt  }
0x7c: {  	_ =	shalt  }
0x7d: {  	_ =	shalt  }
0x7e: {  	_ =	shalt  }
0x7f: {  	_ =	shalt  }
0x80: {  	_ =	shalt  }
0x81: {  	_ =	shalt  }
0x82: {  	_ =	shalt  }
0x83: {  	_ =	shalt  }
0x84: {  	_ =	shalt  }
0x85: {  	_ =	shalt  }
0x86: {  	_ =	shalt  }
0x87: {  	_ =	shalt  }
.Lfunc_end0:
.L_simem_size_0:
called_computation.1_lowered:
.L_overlay_start_0:
0x88: {  	s2 =	sld [smem:$0x3FD9]  }
0x89: {  	s3 =	sld [smem:$0x3FFE];
	_ =	sdelay $0x1  }
0x8a: {  	s1 =	srdreg.scid  }
0x8b: {  	s0 =	sand.u32 $0x1, s1  }
0x8c: {  	s17 =	sshll.u32 s0, $0xA;
	s2 =	sadd.s32 s3, s2  }
0x8d: {  	s2 =	sadd.s32 s2, s17  }
0x8e: {  	[smem:$0x3FC1] =	sst s2  }
0x8f: {  	_ = 	snop  }
0x90: {  	s2 =	sld [smem:$0x3FD0];
	(tm) =	ssettm $0x1  }
0x91: {  	s18 =	sld [smem:$0x3FFB];
	_ =	sdelay $0x3  }
0x92: {  	_ =	strace s18  }
0x93: {  	s3 =	sld [smem:$0x3FFC];
	_ =	sdelay $0x3  }
0x94: {  	_ =	strace s3  }
0x95: {  	s3 =	sld [smem:$0x3FFD];
	_ =	sdelay $0x3  }
0x96: {  	_ =	strace s3  }
0x97: {  	_ =	strace $0x8FFFFFFF  }
0x98: {  	s19 =	sld [smem:$0x3FDB];
	_ =	sdelay $0x1  }
0x99: {  	s4 =	simm.s32 $_scs_section_size  }
0x9a: {  	s5 =	simm.s32 $_size__tile_overlayer_lowered;
	s6 =	simm.s32 $_tile_overlayer_lowered  }
0x9b: {  	s22 =	simm.s32 $0x1BFF;
	s21 =	sshll.u32 s6, $0x1;
	s3 =	sadd.s32 s4, s19  }
0x9c: {  	s7 =	simm.s32 $0x0;
	s20 =	sshll.u32 s5, $0x1;
	s5 =	sadd.s32 s21, s3  }
0x9d: {  	[timem:s7], [sflag:s22] =	dma.local [hbm:s5], s20  }
0x9e: {  	_ =	swait.ge [sflag:s22], s20  }
0x9f: {  	s4 =	ssub.s32 $0x0, s20;
	[sflag:s22] =	ssyncset.done $0x0  }
0xa0: {  	[sflag:s22] =	ssyncadd.s32 s4;
	_ =	sdelay $0x1  }
0xa1: {  	s23 =	simm.s32 $0x1B8B  }
0xa2: {  	_ =	swait.ge [sflag:s23], $0x1  }
0xa3: {  	[sflag:s23] =	ssyncset.done $0x0  }
0xa4: {  	s25 =	simm.s32 $0x1B8E;
	s24 =	sld [smem:$0x3FFE];
	[sflag:s23] =	ssyncadd.s32 $0xFFFFFFFF  }
0xa5: {  	s26 =	simm.s32 $execute0_lowered;
	[smem:$0x3FD2] =	sst s25  }
0xa6: {  	s5 =	sshll.u32 s26, $0x1;
	_ =	strace $0x80000049;
	[dreg:$0x1] =	wrdreg $0xFFFFFFFF  }
0xa7: {  	s28 =	simm.s32 $_size_execute0_lowered;
	s3 =	sadd.s32 s3, s5;
	[dreg:$0x0] =	wrdreg $0x0  }
0xa8: {  	s5 =	sshll.u32 s28, $0x1;
	[dreg:$0x2] =	wrdreg s3  }
0xa9: {  	[dreg:$0x3] =	wrdreg s5  }
0xaa: {  	[dreg:$0x4] =	wrdreg $0xC0  }
0xab: {  	_ =	task [dreg:s7], $0x5FFFF  }
0xac: {  	[dreg:$0x1] =	wrdreg $0xFFFFFFFF  }
0xad: {  	[dreg:$0x0] =	wrdreg $0x60  }
0xae: {  	[dreg:$0x2] =	wrdreg s24  }
0xaf: {  	[dreg:$0x3] =	wrdreg s2  }
0xb0: {  	[dreg:$0x4] =	wrdreg $0x9  }
0xb1: {  	_ =	task.clear_ibuf [dreg:s7], $0x5FFFF;
	_ =	strace $0x90000049  }
0xb2: {  	s29 =	simm.s32 $0x9;
	_ =	strace $0x8000004B  }
0xb3: {  	_ =	swait.ge [sflag:s29], $0x1  }
0xb4: {  	[sflag:s29] =	ssyncadd.s32 $0xFFFFFFFF  }
0xb5: {  	_ =	strace $0x9000004B  }
0xb6: {  	_ =	sfence  }
0xb7: {  	s30 =	sld [smem:$0x0];
	_ =	sdelay $0x2  }
0xb8: {  	s31 =	sshll.u32 s1, $0xD;
	s1 =	sshrl.u32 s1, $0x2  }
0xb9: {  	s3 =	sand.u32 $0x4000, s31;
	s1 =	sadd.s32 s1, s30  }
0xba: {  	s0 =	sor.u32 s3, s0;
	s1 =	sshll.u32 s1, $0x11  }
0xbb: {  	s0 =	sor.u32 s1, s0  }
0xbc: {  	s0 =	sadd.s32 $0x8F2B, s0  }
0xbd: {  	[sflag:s0] =	ssyncadd.remote.s32 $0x1  }
0xbe: {  	_ =	sfence.sel $0xFFFF  }
0xbf: {  	[dreg:$0x0] =	wrdreg $0xFFFFFFFF;
	(pc) =	sbr.abs _section_cstart, $3  }
0xc0: {  	[dreg:$0x1] =	wrdreg $0xFFFFFFFF  }
0xc1: {  	_ =	task.clear_ibuf [dreg:s7], $0x2FFFF;
	_ =	strace $0x9FFFFFFF  }
0xc2: {  	(tm) =	ssettm $0x7FFFFFFF  }
0xc3: {  	_ =	shalt  }
tec
execute0_lowered:
.L_overlay_start_1:
0x0: {  	(tag) =	ssettag $0x1  }
0x1: {  	s0 =	rddreg [dreg:$0x0]  }
0x2: {  	s1 =	rddreg [dreg:$0x1];
	s2 =	simm.s32 $0x0;
	s3 =	srdreg.scid  }
0x3: {  	s5 =	stileid.u32;
	s26 =	simm.s32 $0x18000;
	s31 =	simm.s32 $0x2  }
0x4: {  	s9 =	simm.s32 $0x1800;
	s10 =	simm.s32 $0x2000;
	s11 =	simm.s32 $0x2800  }
0x5: {  	s12 =	simm.s32 $0x3000;
	s13 =	simm.s32 $0x3800;
	s14 =	simm.s32 $0x4000  }
0x6: {  	s15 =	simm.s32 $0x4800;
	s16 =	simm.s32 $0x5000;
	s17 =	simm.s32 $0x5800  }
0x7: {  	s18 =	simm.s32 $0x6000;
	s19 =	simm.s32 $0x6800;
	s20 =	simm.s32 $0x7000  }
0x8: {  	s21 =	simm.s32 $0x7800;
	s22 =	simm.s32 $0x8000;
	s23 =	simm.s32 $0x8800  }
0x9: {  	s28 =	simm.s32 $0xA800;
	s29 =	simm.s32 $0xB000;
	s30 =	simm.s32 $0xB800  }
0xa: {  	[smem:$0x7FF] =	sst s2;
	s4 =	sand.u32 $0x1, s3;
	s5 =	sshll.u32 s5, $0x1  }
0xb: {  	s3 =	sadd.s32 $0xF5000, s0;
	_ =	strace $0x8000004A;
	s5 =	sor.u32 s4, s5  }
0xc: {  	s4 =	ssub.s32 $0x2, s4;
	[dreg:$0x6] =	wrdreg s26;
	s26 =	simm.s32 $0xA000  }
0xd: {  	s6 =	sshll.u32 s5, $0x5;
	s7 =	smul.u32 $0x30000, s5;
	s8 =	sshrl.u32 s4, $0x1  }
0xe: {  	s5 =	smul.u32 $0x6000, s5;
	s6 =	sadd.s32 s6, s0;
	s8 =	ssub.s32 s4, s8  }
0xf: {  	s4 =	sadd.s32 $0xF5100, s0;
	s24 =	sadd.s32 $0x1000, s6;
	s25 =	sshrl.u32 s7, $0x3  }
0x10: {  	s5 =	sadd.s32 s1, s5;
	s6 =	smax.u32 s8, $0x1;
	s8 =	simm.s32 $0x1000  }
0x11: {  	v2 =	vlaneseq.u32;
	s7 =	simm.s32 $0xC000;
	[dreg:$0x3] =	wrdreg s24;
	s1 =	sadd.s32 s1, s25  }
0x12: {  	vm0 =	vmmov $0xffff;
	v1 =	vshrl.u32 v2, $0x3;
	[dreg:$0x4] =	wrdreg s5;
	s5 =	sadd.s32 $0xF5200, s0;
	s1 =	sadd.s32 $0x3000, s1  }
0x13: {  	v0 =	vand.u32 $0x7, v2;
	v2 =	vor.u32 $0x8, v2;
	v1 =	vmul.u32 $0x8, v1;
	s24 =	simm.s32 $0x9000;
	s25 =	simm.s32 $0x9800;
	[dreg:$0x5] =	wrdreg s1  }
.LBB2_1:
0x14: {  	s0 =	rddreg [dreg:$0x3]  }
0x15: {  	s1 =	rddreg [dreg:$0x6]  }
0x16: {  	[tilespmem:s1], [sflag:$0x1] =	stream.linear.gather [hbm4b:s0+s2], $0x100, $0x38;
	[tilespmem:$0x18100] =	vst v63  }
0x17: {  	s1 =	simm.s32 $0x1  }
0x18: {  	_ =	swait.ge [sflag:s1], $0x100  }
0x19: {  	[sflag:s1] =	ssyncset.done $0x0  }
0x1a: {  	[sflag:s1] =	ssyncadd.s32 $0xFFFFFF00  }
0x1b: {  	v3 =	vld [tilespmem:$0x18000];
	_ =	sdelay $0x4  }
0x1c: {  	v4 =	vshrl.u32 v3, $0x3  }
0x1d: {  	v4 =	vmul.u32 $0x30, v4  }
0x1e: {  	v3 =	vand.u32 $0x7, v3  }
0x1f: {  	v3 =	vor.u32 v3, v4  }
0x20: {  	v4 =	vperm.xlane v3, v0;
	_ =	sdelay $0x1  }
0x21: {  	v4 =	vadd.s32 v1, v4;
	_ =	sdelay $0x3  }
0x22: {  	v3 =	vperm.xlane v3, v2  }
0x23: {  	[tilespmem:s2], [sflag:$0x2] =	stream.indirect_vreg.gather [hbm4b:s3+s2], $0x80, v4, vm0, $0xb8;
	[tilespmem:$0x18100] =	vst v63  }
0x24: {  	s1 =	simm.s32 $0x800;
	v3 =	vadd.s32 v1, v3  }
0x25: {  	[tilespmem:s1], [sflag:$0x2] =	stream.indirect_vreg.gather [hbm4b:s4+s2], $0x80, v4, vm0, $0xb8;
	[tilespmem:$0x18100] =	vst v63  }
0x26: {  	_ = 	snop  }
0x27: {  	[tilespmem:s8], [sflag:$0x2] =	stream.indirect_vreg.gather [hbm4b:s5+s2], $0x80, v4, vm0, $0xb8;
	[tilespmem:$0x18100] =	vst v63  }
0x28: {  	_ = 	snop  }
0x29: {  	[tilespmem:s9], [sflag:$0x2] =	stream.indirect_vreg.gather [hbm4b:s3+s2], $0x80, v3, vm0, $0xb8;
	[tilespmem:$0x18100] =	vst v63  }
0x2a: {  	_ = 	snop  }
0x2b: {  	[tilespmem:s10], [sflag:$0x2] =	stream.indirect_vreg.gather [hbm4b:s4+s2], $0x80, v3, vm0, $0xb8;
	[tilespmem:$0x18100] =	vst v63  }
0x2c: {  	_ = 	snop  }
0x2d: {  	[tilespmem:s11], [sflag:$0x2] =	stream.indirect_vreg.gather [hbm4b:s5+s2], $0x80, v3, vm0, $0xb8;
	[tilespmem:$0x18100] =	vst v63  }
0x2e: {  	v3 =	vld [tilespmem:$0x18010];
	_ =	sdelay $0x4  }
0x2f: {  	v49 =	vshrl.u32 v3, $0x3  }
0x30: {  	v4 =	vmul.u32 $0x30, v49  }
0x31: {  	v3 =	vand.u32 $0x7, v3  }
0x32: {  	v3 =	vor.u32 v3, v4  }
0x33: {  	v4 =	vperm.xlane v3, v0;
	_ =	sdelay $0x1  }
0x34: {  	v4 =	vadd.s32 v1, v4;
	_ =	sdelay $0x3  }
0x35: {  	v3 =	vperm.xlane v3, v2  }
0x36: {  	[tilespmem:s12], [sflag:$0x2] =	stream.indirect_vreg.gather [hbm4b:s3+s2], $0x80, v4, vm0, $0xb8;
	[tilespmem:$0x18100] =	vst v63  }
0x37: {  	v3 =	vadd.s32 v1, v3  }
0x38: {  	[tilespmem:s13], [sflag:$0x2] =	stream.indirect_vreg.gather [hbm4b:s4+s2], $0x80, v4, vm0, $0xb8;
	[tilespmem:$0x18100] =	vst v63  }
0x39: {  	_ = 	snop  }
0x3a: {  	[tilespmem:s14], [sflag:$0x2] =	stream.indirect_vreg.gather [hbm4b:s5+s2], $0x80, v4, vm0, $0xb8;
	[tilespmem:$0x18100] =	vst v63  }
0x3b: {  	_ = 	snop  }
0x3c: {  	[tilespmem:s15], [sflag:$0x2] =	stream.indirect_vreg.gather [hbm4b:s3+s2], $0x80, v3, vm0, $0xb8;
	[tilespmem:$0x18100] =	vst v63  }
0x3d: {  	_ = 	snop  }
0x3e: {  	[tilespmem:s16], [sflag:$0x2] =	stream.indirect_vreg.gather [hbm4b:s4+s2], $0x80, v3, vm0, $0xb8;
	[tilespmem:$0x18100] =	vst v63  }
0x3f: {  	_ = 	snop  }
0x40: {  	[tilespmem:s17], [sflag:$0x2] =	stream.indirect_vreg.gather [hbm4b:s5+s2], $0x80, v3, vm0, $0xb8;
	[tilespmem:$0x18100] =	vst v63  }
0x41: {  	v3 =	vld [tilespmem:$0x18020];
	_ =	sdelay $0x4  }
0x42: {  	v50 =	vshrl.u32 v3, $0x3  }
0x43: {  	v4 =	vmul.u32 $0x30, v50  }
0x44: {  	v3 =	vand.u32 $0x7, v3  }
0x45: {  	v3 =	vor.u32 v3, v4  }
0x46: {  	v4 =	vperm.xlane v3, v0;
	_ =	sdelay $0x1  }
0x47: {  	v4 =	vadd.s32 v1, v4;
	_ =	sdelay $0x3  }
0x48: {  	v3 =	vperm.xlane v3, v2  }
0x49: {  	[tilespmem:s18], [sflag:$0x2] =	stream.indirect_vreg.gather [hbm4b:s3+s2], $0x80, v4, vm0, $0xb8;
	[tilespmem:$0x18100] =	vst v63  }
0x4a: {  	v3 =	vadd.s32 v1, v3  }
0x4b: {  	[tilespmem:s19], [sflag:$0x2] =	stream.indirect_vreg.gather [hbm4b:s4+s2], $0x80, v4, vm0, $0xb8;
	[tilespmem:$0x18100] =	vst v63  }
0x4c: {  	_ = 	snop  }
0x4d: {  	[tilespmem:s20], [sflag:$0x2] =	stream.indirect_vreg.gather [hbm4b:s5+s2], $0x80, v4, vm0, $0xb8;
	[tilespmem:$0x18100] =	vst v63  }
0x4e: {  	_ = 	snop  }
0x4f: {  	[tilespmem:s21], [sflag:$0x2] =	stream.indirect_vreg.gather [hbm4b:s3+s2], $0x80, v3, vm0, $0xb8;
	[tilespmem:$0x18100] =	vst v63  }
0x50: {  	_ = 	snop  }
0x51: {  	[tilespmem:s22], [sflag:$0x2] =	stream.indirect_vreg.gather [hbm4b:s4+s2], $0x80, v3, vm0, $0xb8;
	[tilespmem:$0x18100] =	vst v63  }
0x52: {  	_ = 	snop  }
0x53: {  	[tilespmem:s23], [sflag:$0x2] =	stream.indirect_vreg.gather [hbm4b:s5+s2], $0x80, v3, vm0, $0xb8;
	[tilespmem:$0x18100] =	vst v63  }
0x54: {  	v3 =	vld [tilespmem:$0x18030];
	_ =	sdelay $0x4  }
0x55: {  	v51 =	vshrl.u32 v3, $0x3  }
0x56: {  	v4 =	vmul.u32 $0x30, v51  }
0x57: {  	v3 =	vand.u32 $0x7, v3  }
0x58: {  	v3 =	vor.u32 v3, v4  }
0x59: {  	v4 =	vperm.xlane v3, v0;
	_ =	sdelay $0x1  }
0x5a: {  	v4 =	vadd.s32 v1, v4;
	_ =	sdelay $0x3  }
0x5b: {  	v3 =	vperm.xlane v3, v2  }
0x5c: {  	[tilespmem:s24], [sflag:$0x2] =	stream.indirect_vreg.gather [hbm4b:s3+s2], $0x80, v4, vm0, $0xb8;
	[tilespmem:$0x18100] =	vst v63  }
0x5d: {  	v3 =	vadd.s32 v1, v3  }
0x5e: {  	[tilespmem:s25], [sflag:$0x2] =	stream.indirect_vreg.gather [hbm4b:s4+s2], $0x80, v4, vm0, $0xb8;
	[tilespmem:$0x18100] =	vst v63  }
0x5f: {  	_ = 	snop  }
0x60: {  	[tilespmem:s26], [sflag:$0x2] =	stream.indirect_vreg.gather [hbm4b:s5+s2], $0x80, v4, vm0, $0xb8;
	[tilespmem:$0x18100] =	vst v63  }
0x61: {  	_ = 	snop  }
0x62: {  	[tilespmem:s28], [sflag:$0x2] =	stream.indirect_vreg.gather [hbm4b:s3+s2], $0x80, v3, vm0, $0xb8;
	[tilespmem:$0x18100] =	vst v63  }
0x63: {  	_ = 	snop  }
0x64: {  	[tilespmem:s29], [sflag:$0x2] =	stream.indirect_vreg.gather [hbm4b:s4+s2], $0x80, v3, vm0, $0xb8;
	[tilespmem:$0x18100] =	vst v63  }
0x65: {  	_ = 	snop  }
0x66: {  	[tilespmem:s30], [sflag:$0x2] =	stream.indirect_vreg.gather [hbm4b:s5+s2], $0x80, v3, vm0, $0xb8;
	[tilespmem:$0x18100] =	vst v63  }
0x67: {  	v3 =	vld [tilespmem:$0x18040];
	_ =	sdelay $0x4  }
0x68: {  	v52 =	vshrl.u32 v3, $0x3  }
0x69: {  	v4 =	vmul.u32 $0x30, v52  }
0x6a: {  	v3 =	vand.u32 $0x7, v3  }
0x6b: {  	v3 =	vor.u32 v3, v4  }
0x6c: {  	v4 =	vperm.xlane v3, v0;
	_ =	sdelay $0x1  }
0x6d: {  	v4 =	vadd.s32 v1, v4;
	_ =	sdelay $0x3  }
0x6e: {  	v3 =	vperm.xlane v3, v2  }
0x6f: {  	[tilespmem:s7], [sflag:$0x2] =	stream.indirect_vreg.gather [hbm4b:s3+s2], $0x80, v4, vm0, $0xb8;
	[tilespmem:$0x18100] =	vst v63  }
0x70: {  	s0 =	simm.s32 $0xC800;
	v3 =	vadd.s32 v1, v3  }
0x71: {  	[tilespmem:s0], [sflag:$0x2] =	stream.indirect_vreg.gather [hbm4b:s4+s2], $0x80, v4, vm0, $0xb8;
	[tilespmem:$0x18100] =	vst v63  }
0x72: {  	s0 =	simm.s32 $0xD000  }
0x73: {  	[tilespmem:s0], [sflag:$0x2] =	stream.indirect_vreg.gather [hbm4b:s5+s2], $0x80, v4, vm0, $0xb8;
	[tilespmem:$0x18100] =	vst v63  }
0x74: {  	s0 =	simm.s32 $0xD800  }
0x75: {  	[tilespmem:s0], [sflag:$0x2] =	stream.indirect_vreg.gather [hbm4b:s3+s2], $0x80, v3, vm0, $0xb8;
	[tilespmem:$0x18100] =	vst v63  }
0x76: {  	s0 =	simm.s32 $0xE000  }
0x77: {  	[tilespmem:s0], [sflag:$0x2] =	stream.indirect_vreg.gather [hbm4b:s4+s2], $0x80, v3, vm0, $0xb8;
	[tilespmem:$0x18100] =	vst v63  }
0x78: {  	s0 =	simm.s32 $0xE800  }
0x79: {  	[tilespmem:s0], [sflag:$0x2] =	stream.indirect_vreg.gather [hbm4b:s5+s2], $0x80, v3, vm0, $0xb8;
	[tilespmem:$0x18100] =	vst v63  }
0x7a: {  	v3 =	vld [tilespmem:$0x18050];
	_ =	sdelay $0x4  }
0x7b: {  	v53 =	vshrl.u32 v3, $0x3  }
0x7c: {  	v4 =	vmul.u32 $0x30, v53  }
0x7d: {  	v3 =	vand.u32 $0x7, v3  }
0x7e: {  	v3 =	vor.u32 v3, v4  }
0x7f: {  	v4 =	vperm.xlane v3, v0;
	_ =	sdelay $0x1  }
0x80: {  	v4 =	vadd.s32 v1, v4;
	_ =	sdelay $0x3  }
0x81: {  	s0 =	simm.s32 $0xF000;
	v3 =	vperm.xlane v3, v2  }
0x82: {  	[tilespmem:s0], [sflag:$0x2] =	stream.indirect_vreg.gather [hbm4b:s3+s2], $0x80, v4, vm0, $0xb8;
	[tilespmem:$0x18100] =	vst v63  }
0x83: {  	v3 =	vadd.s32 v1, v3;
	s0 =	simm.s32 $0xF800  }
0x84: {  	[tilespmem:s0], [sflag:$0x2] =	stream.indirect_vreg.gather [hbm4b:s4+s2], $0x80, v4, vm0, $0xb8;
	[tilespmem:$0x18100] =	vst v63  }
0x85: {  	s0 =	simm.s32 $0x10000  }
0x86: {  	[tilespmem:s0], [sflag:$0x2] =	stream.indirect_vreg.gather [hbm4b:s5+s2], $0x80, v4, vm0, $0xb8;
	[tilespmem:$0x18100] =	vst v63  }
0x87: {  	s0 =	simm.s32 $0x10800  }
0x88: {  	[tilespmem:s0], [sflag:$0x2] =	stream.indirect_vreg.gather [hbm4b:s3+s2], $0x80, v3, vm0, $0xb8;
	[tilespmem:$0x18100] =	vst v63  }
0x89: {  	s0 =	simm.s32 $0x11000  }
0x8a: {  	[tilespmem:s0], [sflag:$0x2] =	stream.indirect_vreg.gather [hbm4b:s4+s2], $0x80, v3, vm0, $0xb8;
	[tilespmem:$0x18100] =	vst v63  }
0x8b: {  	s0 =	simm.s32 $0x11800  }
0x8c: {  	[tilespmem:s0], [sflag:$0x2] =	stream.indirect_vreg.gather [hbm4b:s5+s2], $0x80, v3, vm0, $0xb8;
	[tilespmem:$0x18100] =	vst v63  }
0x8d: {  	v3 =	vld [tilespmem:$0x18060];
	_ =	sdelay $0x4  }
0x8e: {  	v54 =	vshrl.u32 v3, $0x3  }
0x8f: {  	v4 =	vmul.u32 $0x30, v54  }
0x90: {  	v3 =	vand.u32 $0x7, v3  }
0x91: {  	v3 =	vor.u32 v3, v4  }
0x92: {  	v4 =	vperm.xlane v3, v0;
	_ =	sdelay $0x1  }
0x93: {  	v4 =	vadd.s32 v1, v4;
	_ =	sdelay $0x3  }
0x94: {  	s0 =	simm.s32 $0x12000;
	v3 =	vperm.xlane v3, v2  }
0x95: {  	[tilespmem:s0], [sflag:$0x2] =	stream.indirect_vreg.gather [hbm4b:s3+s2], $0x80, v4, vm0, $0xb8;
	[tilespmem:$0x18100] =	vst v63  }
0x96: {  	v3 =	vadd.s32 v1, v3;
	s0 =	simm.s32 $0x12800  }
0x97: {  	[tilespmem:s0], [sflag:$0x2] =	stream.indirect_vreg.gather [hbm4b:s4+s2], $0x80, v4, vm0, $0xb8;
	[tilespmem:$0x18100] =	vst v63  }
0x98: {  	s0 =	simm.s32 $0x13000  }
0x99: {  	[tilespmem:s0], [sflag:$0x2] =	stream.indirect_vreg.gather [hbm4b:s5+s2], $0x80, v4, vm0, $0xb8;
	[tilespmem:$0x18100] =	vst v63  }
0x9a: {  	s0 =	simm.s32 $0x13800  }
0x9b: {  	[tilespmem:s0], [sflag:$0x2] =	stream.indirect_vreg.gather [hbm4b:s3+s2], $0x80, v3, vm0, $0xb8;
	[tilespmem:$0x18100] =	vst v63  }
0x9c: {  	s0 =	simm.s32 $0x14000  }
0x9d: {  	[tilespmem:s0], [sflag:$0x2] =	stream.indirect_vreg.gather [hbm4b:s4+s2], $0x80, v3, vm0, $0xb8;
	[tilespmem:$0x18100] =	vst v63  }
0x9e: {  	s0 =	simm.s32 $0x14800  }
0x9f: {  	[tilespmem:s0], [sflag:$0x2] =	stream.indirect_vreg.gather [hbm4b:s5+s2], $0x80, v3, vm0, $0xb8;
	[tilespmem:$0x18100] =	vst v63  }
0xa0: {  	v3 =	vld [tilespmem:$0x18070];
	_ =	sdelay $0x4  }
0xa1: {  	v55 =	vshrl.u32 v3, $0x3  }
0xa2: {  	v4 =	vmul.u32 $0x30, v55  }
0xa3: {  	v3 =	vand.u32 $0x7, v3  }
0xa4: {  	v3 =	vor.u32 v3, v4  }
0xa5: {  	v4 =	vperm.xlane v3, v0;
	_ =	sdelay $0x1  }
0xa6: {  	v4 =	vadd.s32 v1, v4;
	_ =	sdelay $0x3  }
0xa7: {  	s0 =	simm.s32 $0x15000;
	v3 =	vperm.xlane v3, v2  }
0xa8: {  	[tilespmem:s0], [sflag:$0x2] =	stream.indirect_vreg.gather [hbm4b:s3+s2], $0x80, v4, vm0, $0xb8;
	[tilespmem:$0x18100] =	vst v63  }
0xa9: {  	v3 =	vadd.s32 v1, v3;
	s0 =	simm.s32 $0x15800  }
0xaa: {  	[tilespmem:s0], [sflag:$0x2] =	stream.indirect_vreg.gather [hbm4b:s4+s2], $0x80, v4, vm0, $0xb8;
	[tilespmem:$0x18100] =	vst v63  }
0xab: {  	s0 =	simm.s32 $0x16000  }
0xac: {  	[tilespmem:s0], [sflag:$0x2] =	stream.indirect_vreg.gather [hbm4b:s5+s2], $0x80, v4, vm0, $0xb8;
	[tilespmem:$0x18100] =	vst v63  }
0xad: {  	s0 =	simm.s32 $0x16800  }
0xae: {  	[tilespmem:s0], [sflag:$0x2] =	stream.indirect_vreg.gather [hbm4b:s3+s2], $0x80, v3, vm0, $0xb8;
	[tilespmem:$0x18100] =	vst v63  }
0xaf: {  	s0 =	simm.s32 $0x17000  }
0xb0: {  	[tilespmem:s0], [sflag:$0x2] =	stream.indirect_vreg.gather [hbm4b:s4+s2], $0x80, v3, vm0, $0xb8;
	[tilespmem:$0x18100] =	vst v63  }
0xb1: {  	s0 =	simm.s32 $0x17800  }
0xb2: {  	[tilespmem:s0], [sflag:$0x2] =	stream.indirect_vreg.gather [hbm4b:s5+s2], $0x80, v3, vm0, $0xb8;
	[tilespmem:$0x18100] =	vst v63  }
0xb3: {  	_ =	swait.ge [sflag:s31], $0x18000  }
0xb4: {  	[sflag:s31] =	ssyncset.done $0x0  }
0xb5: {  	s0 =	rddreg [dreg:$0x4];
	[sflag:s31] =	ssyncadd.s32 $0xFFFE8000  }
0xb6: {  	[hbm4b:s0+s2] =	stream.linear.scatter [tilespmem:s2], [sflag:$0x2], $0x18000, $0x38;
	[tilespmem:$0x18100] =	vst v63  }
0xb7: {  	_ =	swait.ge [sflag:s31], $0x18000  }
0xb8: {  	[sflag:s31] =	ssyncset.done $0x0  }
0xb9: {  	[sflag:s31] =	ssyncadd.s32 $0xFFFE8000  }
0xba: {  	v3 =	vld [tilespmem:$0x18080];
	_ =	sdelay $0x4  }
0xbb: {  	v56 =	vshrl.u32 v3, $0x3  }
0xbc: {  	v4 =	vmul.u32 $0x30, v56  }
0xbd: {  	v3 =	vand.u32 $0x7, v3  }
0xbe: {  	v3 =	vor.u32 v3, v4  }
0xbf: {  	v4 =	vperm.xlane v3, v0;
	_ =	sdelay $0x1  }
0xc0: {  	v4 =	vadd.s32 v1, v4;
	_ =	sdelay $0x3  }
0xc1: {  	v3 =	vperm.xlane v3, v2  }
0xc2: {  	[tilespmem:s2], [sflag:$0x2] =	stream.indirect_vreg.gather [hbm4b:s3+s2], $0x80, v4, vm0, $0xb8;
	[tilespmem:$0x18100] =	vst v63  }
0xc3: {  	v3 =	vadd.s32 v1, v3  }
0xc4: {  	[tilespmem:s1], [sflag:$0x2] =	stream.indirect_vreg.gather [hbm4b:s4+s2], $0x80, v4, vm0, $0xb8;
	[tilespmem:$0x18100] =	vst v63  }
0xc5: {  	_ = 	snop  }
0xc6: {  	[tilespmem:s8], [sflag:$0x2] =	stream.indirect_vreg.gather [hbm4b:s5+s2], $0x80, v4, vm0, $0xb8;
	[tilespmem:$0x18100] =	vst v63  }
0xc7: {  	_ = 	snop  }
0xc8: {  	[tilespmem:s9], [sflag:$0x2] =	stream.indirect_vreg.gather [hbm4b:s3+s2], $0x80, v3, vm0, $0xb8;
	[tilespmem:$0x18100] =	vst v63  }
0xc9: {  	_ = 	snop  }
0xca: {  	[tilespmem:s10], [sflag:$0x2] =	stream.indirect_vreg.gather [hbm4b:s4+s2], $0x80, v3, vm0, $0xb8;
	[tilespmem:$0x18100] =	vst v63  }
0xcb: {  	_ = 	snop  }
0xcc: {  	[tilespmem:s11], [sflag:$0x2] =	stream.indirect_vreg.gather [hbm4b:s5+s2], $0x80, v3, vm0, $0xb8;
	[tilespmem:$0x18100] =	vst v63  }
0xcd: {  	v3 =	vld [tilespmem:$0x18090];
	_ =	sdelay $0x4  }
0xce: {  	v57 =	vshrl.u32 v3, $0x3  }
0xcf: {  	v4 =	vmul.u32 $0x30, v57  }
0xd0: {  	v3 =	vand.u32 $0x7, v3  }
0xd1: {  	v3 =	vor.u32 v3, v4  }
0xd2: {  	v4 =	vperm.xlane v3, v0;
	_ =	sdelay $0x1  }
0xd3: {  	v4 =	vadd.s32 v1, v4;
	_ =	sdelay $0x3  }
0xd4: {  	v3 =	vperm.xlane v3, v2  }
0xd5: {  	[tilespmem:s12], [sflag:$0x2] =	stream.indirect_vreg.gather [hbm4b:s3+s2], $0x80, v4, vm0, $0xb8;
	[tilespmem:$0x18100] =	vst v63  }
0xd6: {  	v3 =	vadd.s32 v1, v3  }
0xd7: {  	[tilespmem:s13], [sflag:$0x2] =	stream.indirect_vreg.gather [hbm4b:s4+s2], $0x80, v4, vm0, $0xb8;
	[tilespmem:$0x18100] =	vst v63  }
0xd8: {  	_ = 	snop  }
0xd9: {  	[tilespmem:s14], [sflag:$0x2] =	stream.indirect_vreg.gather [hbm4b:s5+s2], $0x80, v4, vm0, $0xb8;
	[tilespmem:$0x18100] =	vst v63  }
0xda: {  	_ = 	snop  }
0xdb: {  	[tilespmem:s15], [sflag:$0x2] =	stream.indirect_vreg.gather [hbm4b:s3+s2], $0x80, v3, vm0, $0xb8;
	[tilespmem:$0x18100] =	vst v63  }
0xdc: {  	_ = 	snop  }
0xdd: {  	[tilespmem:s16], [sflag:$0x2] =	stream.indirect_vreg.gather [hbm4b:s4+s2], $0x80, v3, vm0, $0xb8;
	[tilespmem:$0x18100] =	vst v63  }
0xde: {  	_ = 	snop  }
0xdf: {  	[tilespmem:s17], [sflag:$0x2] =	stream.indirect_vreg.gather [hbm4b:s5+s2], $0x80, v3, vm0, $0xb8;
	[tilespmem:$0x18100] =	vst v63  }
0xe0: {  	v3 =	vld [tilespmem:$0x180A0];
	_ =	sdelay $0x4  }
0xe1: {  	v58 =	vshrl.u32 v3, $0x3  }
0xe2: {  	v4 =	vmul.u32 $0x30, v58  }
0xe3: {  	v3 =	vand.u32 $0x7, v3  }
0xe4: {  	v3 =	vor.u32 v3, v4  }
0xe5: {  	v4 =	vperm.xlane v3, v0;
	_ =	sdelay $0x1  }
0xe6: {  	v4 =	vadd.s32 v1, v4;
	_ =	sdelay $0x3  }
0xe7: {  	v3 =	vperm.xlane v3, v2  }
0xe8: {  	[tilespmem:s18], [sflag:$0x2] =	stream.indirect_vreg.gather [hbm4b:s3+s2], $0x80, v4, vm0, $0xb8;
	[tilespmem:$0x18100] =	vst v63  }
0xe9: {  	v3 =	vadd.s32 v1, v3  }
0xea: {  	[tilespmem:s19], [sflag:$0x2] =	stream.indirect_vreg.gather [hbm4b:s4+s2], $0x80, v4, vm0, $0xb8;
	[tilespmem:$0x18100] =	vst v63  }
0xeb: {  	_ = 	snop  }
0xec: {  	[tilespmem:s20], [sflag:$0x2] =	stream.indirect_vreg.gather [hbm4b:s5+s2], $0x80, v4, vm0, $0xb8;
	[tilespmem:$0x18100] =	vst v63  }
0xed: {  	_ = 	snop  }
0xee: {  	[tilespmem:s21], [sflag:$0x2] =	stream.indirect_vreg.gather [hbm4b:s3+s2], $0x80, v3, vm0, $0xb8;
	[tilespmem:$0x18100] =	vst v63  }
0xef: {  	_ = 	snop  }
0xf0: {  	[tilespmem:s22], [sflag:$0x2] =	stream.indirect_vreg.gather [hbm4b:s4+s2], $0x80, v3, vm0, $0xb8;
	[tilespmem:$0x18100] =	vst v63  }
0xf1: {  	_ = 	snop  }
0xf2: {  	[tilespmem:s23], [sflag:$0x2] =	stream.indirect_vreg.gather [hbm4b:s5+s2], $0x80, v3, vm0, $0xb8;
	[tilespmem:$0x18100] =	vst v63  }
0xf3: {  	v3 =	vld [tilespmem:$0x180B0];
	_ =	sdelay $0x4  }
0xf4: {  	v59 =	vshrl.u32 v3, $0x3  }
0xf5: {  	v4 =	vmul.u32 $0x30, v59  }
0xf6: {  	v3 =	vand.u32 $0x7, v3  }
0xf7: {  	v3 =	vor.u32 v3, v4  }
0xf8: {  	v4 =	vperm.xlane v3, v0;
	_ =	sdelay $0x1  }
0xf9: {  	v4 =	vadd.s32 v1, v4;
	_ =	sdelay $0x3  }
0xfa: {  	v3 =	vperm.xlane v3, v2  }
0xfb: {  	[tilespmem:s24], [sflag:$0x2] =	stream.indirect_vreg.gather [hbm4b:s3+s2], $0x80, v4, vm0, $0xb8;
	[tilespmem:$0x18100] =	vst v63  }
0xfc: {  	v3 =	vadd.s32 v1, v3  }
0xfd: {  	[tilespmem:s25], [sflag:$0x2] =	stream.indirect_vreg.gather [hbm4b:s4+s2], $0x80, v4, vm0, $0xb8;
	[tilespmem:$0x18100] =	vst v63  }
0xfe: {  	_ = 	snop  }
0xff: {  	[tilespmem:s26], [sflag:$0x2] =	stream.indirect_vreg.gather [hbm4b:s5+s2], $0x80, v4, vm0, $0xb8;
	[tilespmem:$0x18100] =	vst v63  }
0x100: {  	_ = 	snop  }
0x101: {  	[tilespmem:s28], [sflag:$0x2] =	stream.indirect_vreg.gather [hbm4b:s3+s2], $0x80, v3, vm0, $0xb8;
	[tilespmem:$0x18100] =	vst v63  }
0x102: {  	_ = 	snop  }
0x103: {  	[tilespmem:s29], [sflag:$0x2] =	stream.indirect_vreg.gather [hbm4b:s4+s2], $0x80, v3, vm0, $0xb8;
	[tilespmem:$0x18100] =	vst v63  }
0x104: {  	_ = 	snop  }
0x105: {  	[tilespmem:s30], [sflag:$0x2] =	stream.indirect_vreg.gather [hbm4b:s5+s2], $0x80, v3, vm0, $0xb8;
	[tilespmem:$0x18100] =	vst v63  }
0x106: {  	v3 =	vld [tilespmem:$0x180C0];
	_ =	sdelay $0x4  }
0x107: {  	v60 =	vshrl.u32 v3, $0x3  }
0x108: {  	v4 =	vmul.u32 $0x30, v60  }
0x109: {  	v3 =	vand.u32 $0x7, v3  }
0x10a: {  	v3 =	vor.u32 v3, v4  }
0x10b: {  	v4 =	vperm.xlane v3, v0;
	_ =	sdelay $0x1  }
0x10c: {  	v4 =	vadd.s32 v1, v4;
	_ =	sdelay $0x3  }
0x10d: {  	v3 =	vperm.xlane v3, v2  }
0x10e: {  	[tilespmem:s7], [sflag:$0x2] =	stream.indirect_vreg.gather [hbm4b:s3+s2], $0x80, v4, vm0, $0xb8;
	[tilespmem:$0x18100] =	vst v63  }
0x10f: {  	s1 =	simm.s32 $0xC800;
	v3 =	vadd.s32 v1, v3  }
0x110: {  	[tilespmem:s1], [sflag:$0x2] =	stream.indirect_vreg.gather [hbm4b:s4+s2], $0x80, v4, vm0, $0xb8;
	[tilespmem:$0x18100] =	vst v63  }
0x111: {  	s1 =	simm.s32 $0xD000  }
0x112: {  	[tilespmem:s1], [sflag:$0x2] =	stream.indirect_vreg.gather [hbm4b:s5+s2], $0x80, v4, vm0, $0xb8;
	[tilespmem:$0x18100] =	vst v63  }
0x113: {  	s1 =	simm.s32 $0xD800  }
0x114: {  	[tilespmem:s1], [sflag:$0x2] =	stream.indirect_vreg.gather [hbm4b:s3+s2], $0x80, v3, vm0, $0xb8;
	[tilespmem:$0x18100] =	vst v63  }
0x115: {  	s1 =	simm.s32 $0xE000  }
0x116: {  	[tilespmem:s1], [sflag:$0x2] =	stream.indirect_vreg.gather [hbm4b:s4+s2], $0x80, v3, vm0, $0xb8;
	[tilespmem:$0x18100] =	vst v63  }
0x117: {  	s1 =	simm.s32 $0xE800  }
0x118: {  	[tilespmem:s1], [sflag:$0x2] =	stream.indirect_vreg.gather [hbm4b:s5+s2], $0x80, v3, vm0, $0xb8;
	[tilespmem:$0x18100] =	vst v63  }
0x119: {  	v3 =	vld [tilespmem:$0x180D0];
	_ =	sdelay $0x4  }
0x11a: {  	v61 =	vshrl.u32 v3, $0x3  }
0x11b: {  	v4 =	vmul.u32 $0x30, v61  }
0x11c: {  	v3 =	vand.u32 $0x7, v3  }
0x11d: {  	v3 =	vor.u32 v3, v4  }
0x11e: {  	v4 =	vperm.xlane v3, v0;
	_ =	sdelay $0x1  }
0x11f: {  	v4 =	vadd.s32 v1, v4;
	_ =	sdelay $0x3  }
0x120: {  	s1 =	simm.s32 $0xF000;
	v3 =	vperm.xlane v3, v2  }
0x121: {  	[tilespmem:s1], [sflag:$0x2] =	stream.indirect_vreg.gather [hbm4b:s3+s2], $0x80, v4, vm0, $0xb8;
	[tilespmem:$0x18100] =	vst v63  }
0x122: {  	v3 =	vadd.s32 v1, v3;
	s1 =	simm.s32 $0xF800  }
0x123: {  	[tilespmem:s1], [sflag:$0x2] =	stream.indirect_vreg.gather [hbm4b:s4+s2], $0x80, v4, vm0, $0xb8;
	[tilespmem:$0x18100] =	vst v63  }
0x124: {  	s1 =	simm.s32 $0x10000  }
0x125: {  	[tilespmem:s1], [sflag:$0x2] =	stream.indirect_vreg.gather [hbm4b:s5+s2], $0x80, v4, vm0, $0xb8;
	[tilespmem:$0x18100] =	vst v63  }
0x126: {  	s1 =	simm.s32 $0x10800  }
0x127: {  	[tilespmem:s1], [sflag:$0x2] =	stream.indirect_vreg.gather [hbm4b:s3+s2], $0x80, v3, vm0, $0xb8;
	[tilespmem:$0x18100] =	vst v63  }
0x128: {  	s1 =	simm.s32 $0x11000  }
0x129: {  	[tilespmem:s1], [sflag:$0x2] =	stream.indirect_vreg.gather [hbm4b:s4+s2], $0x80, v3, vm0, $0xb8;
	[tilespmem:$0x18100] =	vst v63  }
0x12a: {  	s1 =	simm.s32 $0x11800  }
0x12b: {  	[tilespmem:s1], [sflag:$0x2] =	stream.indirect_vreg.gather [hbm4b:s5+s2], $0x80, v3, vm0, $0xb8;
	[tilespmem:$0x18100] =	vst v63  }
0x12c: {  	v3 =	vld [tilespmem:$0x180E0];
	_ =	sdelay $0x4  }
0x12d: {  	v62 =	vshrl.u32 v3, $0x3  }
0x12e: {  	v4 =	vmul.u32 $0x30, v62  }
0x12f: {  	v3 =	vand.u32 $0x7, v3  }
0x130: {  	v3 =	vor.u32 v3, v4  }
0x131: {  	v4 =	vperm.xlane v3, v0;
	_ =	sdelay $0x1  }
0x132: {  	v4 =	vadd.s32 v1, v4;
	_ =	sdelay $0x3  }
0x133: {  	s1 =	simm.s32 $0x12000;
	v3 =	vperm.xlane v3, v2  }
0x134: {  	[tilespmem:s1], [sflag:$0x2] =	stream.indirect_vreg.gather [hbm4b:s3+s2], $0x80, v4, vm0, $0xb8;
	[tilespmem:$0x18100] =	vst v63  }
0x135: {  	v3 =	vadd.s32 v1, v3;
	s1 =	simm.s32 $0x12800  }
0x136: {  	[tilespmem:s1], [sflag:$0x2] =	stream.indirect_vreg.gather [hbm4b:s4+s2], $0x80, v4, vm0, $0xb8;
	[tilespmem:$0x18100] =	vst v63  }
0x137: {  	s1 =	simm.s32 $0x13000  }
0x138: {  	[tilespmem:s1], [sflag:$0x2] =	stream.indirect_vreg.gather [hbm4b:s5+s2], $0x80, v4, vm0, $0xb8;
	[tilespmem:$0x18100] =	vst v63  }
0x139: {  	s1 =	simm.s32 $0x13800  }
0x13a: {  	[tilespmem:s1], [sflag:$0x2] =	stream.indirect_vreg.gather [hbm4b:s3+s2], $0x80, v3, vm0, $0xb8;
	[tilespmem:$0x18100] =	vst v63  }
0x13b: {  	s1 =	simm.s32 $0x14000  }
0x13c: {  	[tilespmem:s1], [sflag:$0x2] =	stream.indirect_vreg.gather [hbm4b:s4+s2], $0x80, v3, vm0, $0xb8;
	[tilespmem:$0x18100] =	vst v63  }
0x13d: {  	s1 =	simm.s32 $0x14800  }
0x13e: {  	[tilespmem:s1], [sflag:$0x2] =	stream.indirect_vreg.gather [hbm4b:s5+s2], $0x80, v3, vm0, $0xb8;
	[tilespmem:$0x18100] =	vst v63  }
0x13f: {  	v3 =	vld [tilespmem:$0x180F0];
	_ =	sdelay $0x4  }
0x140: {  	v63 =	vshrl.u32 v3, $0x3  }
0x141: {  	v4 =	vmul.u32 $0x30, v63  }
0x142: {  	v3 =	vand.u32 $0x7, v3  }
0x143: {  	v3 =	vor.u32 v3, v4  }
0x144: {  	v4 =	vperm.xlane v3, v0;
	_ =	sdelay $0x1  }
0x145: {  	v4 =	vadd.s32 v1, v4;
	_ =	sdelay $0x3  }
0x146: {  	s1 =	simm.s32 $0x15000;
	v3 =	vperm.xlane v3, v2  }
0x147: {  	[tilespmem:s1], [sflag:$0x2] =	stream.indirect_vreg.gather [hbm4b:s3+s2], $0x80, v4, vm0, $0xb8;
	[tilespmem:$0x18100] =	vst v63  }
0x148: {  	v3 =	vadd.s32 v1, v3;
	s1 =	simm.s32 $0x15800  }
0x149: {  	[tilespmem:s1], [sflag:$0x2] =	stream.indirect_vreg.gather [hbm4b:s4+s2], $0x80, v4, vm0, $0xb8;
	[tilespmem:$0x18100] =	vst v63  }
0x14a: {  	s1 =	simm.s32 $0x16000  }
0x14b: {  	[tilespmem:s1], [sflag:$0x2] =	stream.indirect_vreg.gather [hbm4b:s5+s2], $0x80, v4, vm0, $0xb8;
	[tilespmem:$0x18100] =	vst v63  }
0x14c: {  	s1 =	simm.s32 $0x16800  }
0x14d: {  	[tilespmem:s1], [sflag:$0x2] =	stream.indirect_vreg.gather [hbm4b:s3+s2], $0x80, v3, vm0, $0xb8;
	[tilespmem:$0x18100] =	vst v63  }
0x14e: {  	s1 =	simm.s32 $0x17000  }
0x14f: {  	[tilespmem:s1], [sflag:$0x2] =	stream.indirect_vreg.gather [hbm4b:s4+s2], $0x80, v3, vm0, $0xb8;
	[tilespmem:$0x18100] =	vst v63  }
0x150: {  	s1 =	simm.s32 $0x17800  }
0x151: {  	[tilespmem:s1], [sflag:$0x2] =	stream.indirect_vreg.gather [hbm4b:s5+s2], $0x80, v3, vm0, $0xb8;
	[tilespmem:$0x18100] =	vst v63  }
0x152: {  	_ =	swait.ge [sflag:s31], $0x18000  }
0x153: {  	p0 =	sne.s32 s6, $0x1;
	[sflag:s31] =	ssyncset.done $0x0  }
.Ltmp0:
0x154: {  	s1 =	rddreg [dreg:$0x5];
	[sflag:s31] =	ssyncadd.s32 $0xFFFE8000;
	(pc) =	sbr.rel @p0 .LBB2_1-.Ltmp0, $4  }
0x155: {  	[hbm4b:s1+s2] =	stream.linear.scatter [tilespmem:s2], [sflag:$0x2], $0x18000, $0x38;
	[tilespmem:$0x18100] =	vst v63  }
0x156: {  	_ =	swait.ge [sflag:s31], $0x18000  }
0x157: {  	[sflag:s31] =	ssyncset.done $0x0  }
0x158: {  	s6 =	sadd.s32 $0xFFFFFFFF, s6;
	[sflag:s31] =	ssyncadd.s32 $0xFFFE8000  }
0x159: {  	_ =	sfence.sel $0x180000  }
0x15a: {  	[bflag:$0x0] =	sbarrier.arrive $0xFFFF  }
0x15b: {  	_ =	strace $0x9000004A  }
0x15c: {  	s0 =	stileid.u32;
	[bflag:$0x2] =	sbarrier.arrive $0xFFFF  }
0x15d: {  	p0 =	sne.s32 s0, $0x0;
	s0 =	rddreg [dreg:$0x2]  }
0x15e: {  	s0 =	sadd.s32 @!p0 $0x100000, s0  }
0x15f: {  	[sflag:s0] =	ssyncadd.tile.s32 @!p0 $0x1;
	_ =	shalt  }
.Lfunc_end2:
_tile_overlayer_lowered:
.L_overlay_start_2:
0x160: {  	(tag) =	ssettag $0x2  }
0x161: {  	s0 =	rddreg [dreg:$0x0];
	s2 =	stileid.u32  }
0x162: {  	s1 =	rddreg [dreg:$0x1];
	p0 =	sne.s32 s2, $0x0  }
0x163: {  	s3 =	rddreg [dreg:$0x2];
	[bflag:$0x3] =	sbarrier.arrive $0xFFFF;
	s2 =	simm.s32 @!p0 $0x1C02  }
0x164: {  	[timem:s3], [sflag:s2] =	dma.local @!p0 [hbm:s0], s1  }
0x165: {  	s0 =	simm.s32 @!p0 $0x2  }
0x166: {  	_ =	swait.ge @!p0 [sflag:s0], s1  }
0x167: {  	s1 =	ssub.s32 @!p0 $0x0, s1;
	[sflag:s0] =	ssyncset.done @!p0 $0x0  }
0x168: {  	[sflag:s0] =	ssyncadd.s32 @!p0 s1  }
0x169: {  	[bflag:$0x3] =	sbarrier.arrive $0xFFFF  }
0x16a: {  	_ =	shalt  }

</sc_bundles>
